<compile_context>
chip_gen: v7x
topology: tpu7x:2x2x1
jax: 0.10.2.dev20260603
libtpu: 0.0.44.dev20260713+nightly
codegen_flags: <defaults>
</compile_context>

<pallas_src>
import jax
import jax.numpy as jnp
from jax import lax
from jax.experimental import pallas as pl
from jax.experimental.pallas import tpu as pltpu
from jax.experimental.pallas import tpu_sc as plsc

N_NODES = 10000
D = 128
E = 320000
N_PAD = 10240
NC, NS, L = 2, 16, 16
NW = NC * NS
E_PER_W = E // NW
CH = 128
E_PAD_PER_W = 10240
NCHUNK = E_PAD_PER_W // CH
DEG_ROWS = N_PAD // D
ACC_ROWS_PER_TILE = N_PAD // NS
WB_CH = 128
RB = 1024

_mesh = plsc.VectorSubcoreMesh(core_axis_name="c", subcore_axis_name="s")
_sc_params = pltpu.CompilerParams(needs_layout_passes=False)



def _deg_body(dst_hbm, out_hbm, idx_v, deg_v):
    c = lax.axis_index("c")
    s = lax.axis_index("s")
    wid = c * NS + s

    pltpu.sync_copy(dst_hbm.at[wid], idx_v)

    zeros16 = jnp.zeros((L,), jnp.float32)

    def zero_row(i, carry):
        deg_v[pl.ds(i * L, L)] = zeros16
        return carry

    lax.fori_loop(0, N_PAD // L, zero_row, 0)

    ones16 = jnp.full((L,), 1.0, jnp.float32)

    def body(i, carry):
        vec = idx_v[pl.ds(i * L, L)]
        plsc.addupdate_scatter(deg_v, [vec], ones16)
        return carry

    lax.fori_loop(0, E_PER_W // L, body, 0)

    pltpu.sync_copy(deg_v, out_hbm.at[wid])


_deg_call = pl.kernel(
    _deg_body,
    out_type=jax.ShapeDtypeStruct((NW, N_PAD), jnp.float32),
    mesh=_mesh,
    scratch_types=[
        pltpu.VMEM((E_PER_W,), jnp.int32),
        pltpu.VMEM((N_PAD,), jnp.float32),
    ],
    compiler_params=_sc_params,
)



def _prep_body(x_ref, w_ref, degp_ref, g_ref, dinv_ref):
    d = jnp.sum(degp_ref[...], axis=0) + 1.0
    dinv = lax.rsqrt(d)
    dinv_ref[...] = dinv
    xs = x_ref[...] * dinv[:, None]
    g_ref[...] = lax.dot_general(
        xs, w_ref[...], (((1,), (1,)), ((), ())),
        preferred_element_type=jnp.float32)


_prep_call = pl.pallas_call(
    _prep_body,
    grid=(N_PAD // RB,),
    in_specs=[
        pl.BlockSpec((RB, D), lambda i: (i, 0)),
        pl.BlockSpec((D, D), lambda i: (0, 0)),
        pl.BlockSpec((NW, RB), lambda i: (0, i)),
    ],
    out_specs=[
        pl.BlockSpec((RB, D), lambda i: (i, 0)),
        pl.BlockSpec((RB,), lambda i: (i,)),
    ],
    out_shape=[
        jax.ShapeDtypeStruct((N_PAD, D), jnp.float32),
        jax.ShapeDtypeStruct((N_PAD,), jnp.float32),
    ],
)



HNCHUNK = NCHUNK // 2


def _edge_body(src_hbm, dst_hbm, g_hbm, out_hbm, src_v, dst_v, rows0_v,
               rows1_v, acc_sh, semg0, semg1):
    c = lax.axis_index("c")
    s = lax.axis_index("s")
    wid = c * NS + s

    zeros16 = jnp.zeros((L,), jnp.float32)

    def zero_row(i, carry):
        for j in range(D // L):
            rows0_v[i, pl.ds(j * L, L)] = zeros16
        return carry

    lax.fori_loop(0, WB_CH, zero_row, 0)

    base = s * ACC_ROWS_PER_TILE
    zsrc = rows0_v.at[pl.ds(0, WB_CH)]

    def zero_acc(k, carry):
        pltpu.sync_copy(zsrc, acc_sh.at[pl.ds(base + k * WB_CH, WB_CH)])
        return carry

    lax.fori_loop(0, ACC_ROWS_PER_TILE // WB_CH, zero_acc, 0)

    plsc.subcore_barrier()

    for h in range(NCHUNK // HNCHUNK):
        pltpu.sync_copy(src_hbm.at[wid].at[pl.ds(h * HNCHUNK, HNCHUNK)],
                        src_v)
        pltpu.sync_copy(dst_hbm.at[wid].at[pl.ds(h * HNCHUNK, HNCHUNK)],
                        dst_v)
        pltpu.async_copy(g_hbm.at[src_v.at[0]], rows0_v, semg0)

        def body(i, carry):
            j = i * 2
            pltpu.async_copy(g_hbm.at[src_v.at[j + 1]], rows1_v, semg1)
            pltpu.make_async_copy(g_hbm.at[src_v.at[j]], rows0_v,
                                  semg0).wait()
            pltpu.sync_copy(rows0_v, acc_sh.at[dst_v.at[j]], add=True)

            @pl.when(j + 2 < HNCHUNK)
            def _():
                pltpu.async_copy(g_hbm.at[src_v.at[j + 2]], rows0_v, semg0)

            pltpu.make_async_copy(g_hbm.at[src_v.at[j + 1]], rows1_v,
                                  semg1).wait()
            pltpu.sync_copy(rows1_v, acc_sh.at[dst_v.at[j + 1]], add=True)
            return carry

        lax.fori_loop(0, HNCHUNK // 2, body, 0)

    plsc.subcore_barrier()

    wb = rows0_v.at[pl.ds(0, WB_CH)]

    def writeback(k, carry):
        r = base + k * WB_CH
        pltpu.sync_copy(acc_sh.at[pl.ds(r, WB_CH)], wb)
        pltpu.sync_copy(wb, out_hbm.at[c].at[pl.ds(r, WB_CH)])
        return carry

    lax.fori_loop(0, ACC_ROWS_PER_TILE // WB_CH, writeback, 0)


_edge_call = pl.kernel(
    _edge_body,
    out_type=jax.ShapeDtypeStruct((NC, N_PAD, D), jnp.float32),
    mesh=_mesh,
    scratch_types=[
        pltpu.VMEM((HNCHUNK, CH), jnp.int32),
        pltpu.VMEM((HNCHUNK, CH), jnp.int32),
        pltpu.VMEM((CH, D), jnp.float32),
        pltpu.VMEM((CH, D), jnp.float32),
        pltpu.VMEM_SHARED((N_PAD, D), jnp.float32),
        pltpu.SemaphoreType.DMA,
        pltpu.SemaphoreType.DMA,
    ],
    compiler_params=_sc_params,
)



def _fin_body(p_ref, g_ref, dinv_ref, b_ref, o_ref):
    acc = p_ref[0] + p_ref[1] + g_ref[...]
    o_ref[...] = jnp.maximum(acc * dinv_ref[...][:, None] + b_ref[...], 0.0)


_fin_call = pl.pallas_call(
    _fin_body,
    grid=(N_PAD // RB,),
    in_specs=[
        pl.BlockSpec((NC, RB, D), lambda i: (0, i, 0)),
        pl.BlockSpec((RB, D), lambda i: (i, 0)),
        pl.BlockSpec((RB,), lambda i: (i,)),
        pl.BlockSpec((1, D), lambda i: (0, 0)),
    ],
    out_specs=pl.BlockSpec((RB, D), lambda i: (i, 0)),
    out_shape=jax.ShapeDtypeStruct((N_PAD, D), jnp.float32),
)


def kernel(x, edge_index, pos, batch, W, b):
    src = edge_index[0].astype(jnp.int32)
    dst = edge_index[1].astype(jnp.int32)
    pad_w = E_PAD_PER_W - E_PER_W
    pad_ids = (jnp.arange(pad_w, dtype=jnp.int32) % (N_PAD - N_NODES)
               ) + N_NODES
    pad_blk = jnp.broadcast_to(pad_ids, (NW, pad_w))
    src_p = jnp.concatenate([src.reshape(NW, E_PER_W), pad_blk],
                            axis=1).reshape(NW, NCHUNK, CH)
    dst_p = jnp.concatenate([dst.reshape(NW, E_PER_W), pad_blk],
                            axis=1).reshape(NW, NCHUNK, CH)
    dst_flat = dst.reshape(NW, E_PER_W)

    xp = jnp.pad(x, ((0, N_PAD - N_NODES), (0, 0)))

    degp = _deg_call(dst_flat)
    g, dinv = _prep_call(xp, W, degp)
    p = _edge_call(src_p, dst_p, g)
    out_pad = _fin_call(p, g, dinv, b.reshape(1, D))
    return (out_pad[:N_NODES], edge_index, pos)

# --- scband reference (transcript-rebuilt; emitter-appended) ---
"""Pipeline reference for scband-conv-block-20031727468574 (READ-ONLY COPY).

The authoritative reference and input builder live on the scoring server;
editing this copy changes nothing except your own understanding.
"""

import jax, jax.numpy as jnp
import numpy as np

N_NODES = 10000
N_EDGES = 320000
D_IN = 128
D_OUT = 128


def setup_inputs(seed: int = 0) -> dict:
    key = jax.random.key(seed)
    k1, k2, k3, k4, k5 = jax.random.split(key, 5)
    x = jax.random.normal(k1, (N_NODES, D_IN), dtype=jnp.float32)
    edge_index = jax.random.randint(k2, (2, N_EDGES), 0, N_NODES, dtype=jnp.int64)
    pos = jax.random.normal(k3, (N_NODES, 3), dtype=jnp.float32)
    batch = jnp.zeros((N_NODES,), dtype=jnp.int64)
    # GCNConv learned params: weight [out, in] (applied as x @ W.T), bias [out]
    W = jax.random.normal(k4, (D_OUT, D_IN), dtype=jnp.float32) * (1.0 / np.sqrt(D_IN))
    b = jnp.zeros((D_OUT,), dtype=jnp.float32)
    return {"x": x, "edge_index": edge_index, "pos": pos, "batch": batch, "W": W, "b": b}


def reference(x, edge_index, pos, batch, W, b):
    # ConvBlock(conv_layer_type='gcnconv', nodes=[128,128]): no mlp_block,
    # output = relu(GCNConv(x, adj_t)); returns (output, adj_t, pos).
    n = x.shape[0]
    src = edge_index[0]
    dst = edge_index[1]
    # GCNConv default: add self loops, symmetric normalization
    loop = jnp.arange(n, dtype=src.dtype)
    src_f = jnp.concatenate([src, loop])
    dst_f = jnp.concatenate([dst, loop])
    h = x @ W.T
    ones = jnp.ones(src_f.shape[0], dtype=x.dtype)
    deg = jnp.zeros(n, dtype=x.dtype).at[dst_f].add(ones)
    deg_inv_sqrt = jnp.where(deg > 0, jax.lax.rsqrt(jnp.maximum(deg, 1e-12)), 0.0)
    norm = deg_inv_sqrt[src_f] * deg_inv_sqrt[dst_f]
    msgs = norm[:, None] * jnp.take(h, src_f, axis=0)
    out = jnp.zeros_like(h).at[dst_f].add(msgs)
    out = out + b
    out = jax.nn.relu(out)
    return (out, edge_index, pos)

if __name__ == "__main__":
    import jax
    _d = setup_inputs()
    print(jax.jit(kernel)(*tuple(_d.values())))

</pallas_src>

<mosaic_0001>
#map = affine_map<(d0, d1) -> (0, 0)>
module attributes {stable_mosaic.version = 14 : i64} {
  func.func @_deg_body(%arg0: i32, %arg1: i32, %arg2: memref<32x10000xi32, #tpu.memory_space<hbm>>, %arg3: memref<32x10240xf32, #tpu.memory_space<hbm>>, %arg4: memref<10000xi32, #tpu.memory_space<vmem>>, %arg5: memref<10240xf32, #tpu.memory_space<vmem>>) attributes {dimension_semantics = [#tpu.dimension_semantics<core_parallel>, #tpu.dimension_semantics<subcore_parallel>], iteration_bounds = array<i64: 2, 16>, scalar_prefetch = 0 : i64, scratch_operands = 2 : i64, tpu.core_type = #tpu.core_type<sc_vector_subcore>, window_params = [{transform_indices = #map}, {transform_indices = #map}]} {
    %mul3A = arith.constant 16 : i32
    %mul3A_0 = arith.muli %arg0, %mul3A : i32
    %add3A = arith.addi %mul3A_0, %arg1 : i32
    "tpu.region"() ({
      %run_scoped3A = tpu.sem_alloc : memref<!tpu.dma_semaphore, #tpu.memory_space<semaphore_mem>>
      %dma_start3A = arith.constant 0 : i32
      %dma_start3A_15 = tpu.memref_slice %arg2[%add3A, %dma_start3A] : memref<32x10000xi32, #tpu.memory_space<hbm>> -> memref<1x10000xi32, #tpu.memory_space<hbm>>
      %dma_start3A_16 = tpu.memref_squeeze %dma_start3A_15 : memref<1x10000xi32, #tpu.memory_space<hbm>> -> memref<10000xi32, #tpu.memory_space<hbm>>
      %dma_start3A_17 = arith.constant 0 : i32
      %dma_start3A_18 = tpu.memref_slice %arg2[%add3A, %dma_start3A_17] : memref<32x10000xi32, #tpu.memory_space<hbm>> -> memref<1x10000xi32, #tpu.memory_space<hbm>>
      %dma_start3A_19 = tpu.memref_squeeze %dma_start3A_18 : memref<1x10000xi32, #tpu.memory_space<hbm>> -> memref<10000xi32, #tpu.memory_space<hbm>>
      tpu.enqueue_dma source(%dma_start3A_19 : memref<10000xi32, #tpu.memory_space<hbm>>) target(%arg4 : memref<10000xi32, #tpu.memory_space<vmem>>) target_semaphore(%run_scoped3A : memref<!tpu.dma_semaphore, #tpu.memory_space<semaphore_mem>>)
      %dma_wait3A = arith.constant 0 : i32
      %dma_wait3A_20 = tpu.memref_slice %arg2[%add3A, %dma_wait3A] : memref<32x10000xi32, #tpu.memory_space<hbm>> -> memref<1x10000xi32, #tpu.memory_space<hbm>>
      %dma_wait3A_21 = tpu.memref_squeeze %dma_wait3A_20 : memref<1x10000xi32, #tpu.memory_space<hbm>> -> memref<10000xi32, #tpu.memory_space<hbm>>
      %dma_wait3A_22 = arith.constant 0 : i32
      %dma_wait3A_23 = tpu.memref_slice %arg2[%add3A, %dma_wait3A_22] : memref<32x10000xi32, #tpu.memory_space<hbm>> -> memref<1x10000xi32, #tpu.memory_space<hbm>>
      %dma_wait3A_24 = tpu.memref_squeeze %dma_wait3A_23 : memref<1x10000xi32, #tpu.memory_space<hbm>> -> memref<10000xi32, #tpu.memory_space<hbm>>
      tpu.wait_dma2 semaphore(%run_scoped3A : memref<!tpu.dma_semaphore, #tpu.memory_space<semaphore_mem>>) src(%dma_wait3A_24 : memref<10000xi32, #tpu.memory_space<hbm>>) dst(%arg4 : memref<10000xi32, #tpu.memory_space<vmem>>)
      tpu.yield
    }) : () -> ()
    %broadcast_in_dim3A = arith.constant 0.000000e+00 : f32
    %broadcast_in_dim3A_1 = vector.broadcast %broadcast_in_dim3A : f32 to vector<16xf32>
    %scan3A = arith.constant 0 : i32
    %scan3A_2 = arith.constant 0 : i32
    %scan3A_3 = arith.constant 640 : i32
    %scan3A_4 = arith.addi %scan3A_2, %scan3A_3 : i32
    %scan3A_5 = arith.constant 1 : i32
    scf.for %scan3A_15 = %scan3A_2 to %scan3A_4 step %scan3A_5  : i32 {
      %mul3A_16 = arith.constant 16 : i32
      %mul3A_17 = arith.muli %scan3A_15, %mul3A_16 : i32
      %swap3A = arith.index_cast %mul3A_17 : i32 to index
      %swap3A_18 = tpu.vector_load %arg5[%swap3A] {strides = array<i32>} : memref<10240xf32, #tpu.memory_space<vmem>>, vector<16xf32>,
      tpu.vector_store %arg5[%swap3A], %broadcast_in_dim3A_1 {strides = array<i32>} : memref<10240xf32, #tpu.memory_space<vmem>>, vector<16xf32>,
    }
    %scan3A_6 = arith.constant 640 : i32
    %broadcast_in_dim3A_7 = arith.constant 1.000000e+00 : f32
    %broadcast_in_dim3A_8 = vector.broadcast %broadcast_in_dim3A_7 : f32 to vector<16xf32>
    %scan3A_9 = arith.constant 0 : i32
    %scan3A_10 = arith.constant 0 : i32
    %scan3A_11 = arith.constant 625 : i32
    %scan3A_12 = arith.addi %scan3A_10, %scan3A_11 : i32
    %scan3A_13 = arith.constant 1 : i32
    scf.for %scan3A_15 = %scan3A_10 to %scan3A_12 step %scan3A_13  : i32 {
      %mul3A_16 = arith.constant 16 : i32
      %mul3A_17 = arith.muli %scan3A_15, %mul3A_16 : i32
      %get3A = arith.index_cast %mul3A_17 : i32 to index
      %get3A_18 = tpu.vector_load %arg4[%get3A] {strides = array<i32>} : memref<10000xi32, #tpu.memory_space<vmem>>, vector<16xi32>,
      tpu.vector_store_idx %arg5[%get3A_18], %broadcast_in_dim3A_8 {add = true} : memref<10240xf32, #tpu.memory_space<vmem>>[vector<16xi32>], vector<16xf32>,
    }
    %scan3A_14 = arith.constant 625 : i32
    "tpu.region"() ({
      %run_scoped3A = tpu.sem_alloc : memref<!tpu.dma_semaphore, #tpu.memory_space<semaphore_mem>>
      %dma_start3A = arith.constant 0 : i32
      %dma_start3A_15 = tpu.memref_slice %arg3[%add3A, %dma_start3A] : memref<32x10240xf32, #tpu.memory_space<hbm>> -> memref<1x10240xf32, #tpu.memory_space<hbm>>
      %dma_start3A_16 = tpu.memref_squeeze %dma_start3A_15 : memref<1x10240xf32, #tpu.memory_space<hbm>> -> memref<10240xf32, #tpu.memory_space<hbm>>
      %dma_start3A_17 = arith.constant 0 : i32
      %dma_start3A_18 = tpu.memref_slice %arg3[%add3A, %dma_start3A_17] : memref<32x10240xf32, #tpu.memory_space<hbm>> -> memref<1x10240xf32, #tpu.memory_space<hbm>>
      %dma_start3A_19 = tpu.memref_squeeze %dma_start3A_18 : memref<1x10240xf32, #tpu.memory_space<hbm>> -> memref<10240xf32, #tpu.memory_space<hbm>>
      tpu.enqueue_dma source(%arg5 : memref<10240xf32, #tpu.memory_space<vmem>>) target(%dma_start3A_19 : memref<10240xf32, #tpu.memory_space<hbm>>) target_semaphore(%run_scoped3A : memref<!tpu.dma_semaphore, #tpu.memory_space<semaphore_mem>>)
      %dma_wait3A = arith.constant 0 : i32
      %dma_wait3A_20 = tpu.memref_slice %arg3[%add3A, %dma_wait3A] : memref<32x10240xf32, #tpu.memory_space<hbm>> -> memref<1x10240xf32, #tpu.memory_space<hbm>>
      %dma_wait3A_21 = tpu.memref_squeeze %dma_wait3A_20 : memref<1x10240xf32, #tpu.memory_space<hbm>> -> memref<10240xf32, #tpu.memory_space<hbm>>
      %dma_wait3A_22 = arith.constant 0 : i32
      %dma_wait3A_23 = tpu.memref_slice %arg3[%add3A, %dma_wait3A_22] : memref<32x10240xf32, #tpu.memory_space<hbm>> -> memref<1x10240xf32, #tpu.memory_space<hbm>>
      %dma_wait3A_24 = tpu.memref_squeeze %dma_wait3A_23 : memref<1x10240xf32, #tpu.memory_space<hbm>> -> memref<10240xf32, #tpu.memory_space<hbm>>
      tpu.wait_dma2 semaphore(%run_scoped3A : memref<!tpu.dma_semaphore, #tpu.memory_space<semaphore_mem>>) src(%arg5 : memref<10240xf32, #tpu.memory_space<vmem>>) dst(%dma_wait3A_24 : memref<10240xf32, #tpu.memory_space<hbm>>)
      tpu.yield
    }) : () -> ()
    return
  }
}

#map = affine_map<(d0, d1) -> (0, 0, 0)>
#map1 = affine_map<(d0, d1) -> (0, 0)>
module attributes {stable_mosaic.version = 14 : i64} {
  func.func @_edge_body(%arg0: i32, %arg1: i32, %arg2: memref<32x80x128xi32, #tpu.memory_space<hbm>>, %arg3: memref<32x80x128xi32, #tpu.memory_space<hbm>>, %arg4: memref<10240x128xf32, #tpu.memory_space<hbm>>, %arg5: memref<2x10240x128xf32, #tpu.memory_space<hbm>>, %arg6: memref<40x128xi32, #tpu.memory_space<vmem>>, %arg7: memref<40x128xi32, #tpu.memory_space<vmem>>, %arg8: memref<128x128xf32, #tpu.memory_space<vmem>>, %arg9: memref<128x128xf32, #tpu.memory_space<vmem>>, %arg10: memref<10240x128xf32, #tpu.memory_space<vmem_shared>>, %arg11: memref<!tpu.dma_semaphore, #tpu.memory_space<semaphore_mem>>, %arg12: memref<!tpu.dma_semaphore, #tpu.memory_space<semaphore_mem>>) attributes {dimension_semantics = [#tpu.dimension_semantics<core_parallel>, #tpu.dimension_semantics<subcore_parallel>], iteration_bounds = array<i64: 2, 16>, scalar_prefetch = 0 : i64, scratch_operands = 7 : i64, tpu.core_type = #tpu.core_type<sc_vector_subcore>, window_params = [{transform_indices = #map}, {transform_indices = #map}, {transform_indices = #map1}, {transform_indices = #map}]} {
    %mul3A = arith.constant 16 : i32
    %mul3A_0 = arith.muli %arg0, %mul3A : i32
    %add3A = arith.addi %mul3A_0, %arg1 : i32
    %broadcast_in_dim3A = arith.constant 0.000000e+00 : f32
    %broadcast_in_dim3A_1 = vector.broadcast %broadcast_in_dim3A : f32 to vector<16xf32>
    %scan3A = arith.constant 0 : i32
    %scan3A_2 = arith.constant 0 : i32
    %scan3A_3 = arith.constant 128 : i32
    %scan3A_4 = arith.addi %scan3A_2, %scan3A_3 : i32
    %scan3A_5 = arith.constant 1 : i32
    scf.for %scan3A_47 = %scan3A_2 to %scan3A_4 step %scan3A_5  : i32 {
      %swap3A = arith.index_cast %scan3A_47 : i32 to index
      %swap3A_48 = arith.constant 0 : index
      %swap3A_49 = tpu.vector_load %arg8[%swap3A, %swap3A_48] {strides = array<i32>} : memref<128x128xf32, #tpu.memory_space<vmem>>, vector<16xf32>,
      tpu.vector_store %arg8[%swap3A, %swap3A_48], %broadcast_in_dim3A_1 {strides = array<i32>} : memref<128x128xf32, #tpu.memory_space<vmem>>, vector<16xf32>,
      %swap3A_50 = arith.index_cast %scan3A_47 : i32 to index
      %swap3A_51 = arith.constant 16 : index
      %swap3A_52 = tpu.vector_load %arg8[%swap3A_50, %swap3A_51] {strides = array<i32>} : memref<128x128xf32, #tpu.memory_space<vmem>>, vector<16xf32>,
      tpu.vector_store %arg8[%swap3A_50, %swap3A_51], %broadcast_in_dim3A_1 {strides = array<i32>} : memref<128x128xf32, #tpu.memory_space<vmem>>, vector<16xf32>,
      %swap3A_53 = arith.index_cast %scan3A_47 : i32 to index
      %swap3A_54 = arith.constant 32 : index
      %swap3A_55 = tpu.vector_load %arg8[%swap3A_53, %swap3A_54] {strides = array<i32>} : memref<128x128xf32, #tpu.memory_space<vmem>>, vector<16xf32>,
      tpu.vector_store %arg8[%swap3A_53, %swap3A_54], %broadcast_in_dim3A_1 {strides = array<i32>} : memref<128x128xf32, #tpu.memory_space<vmem>>, vector<16xf32>,
      %swap3A_56 = arith.index_cast %scan3A_47 : i32 to index
      %swap3A_57 = arith.constant 48 : index
      %swap3A_58 = tpu.vector_load %arg8[%swap3A_56, %swap3A_57] {strides = array<i32>} : memref<128x128xf32, #tpu.memory_space<vmem>>, vector<16xf32>,
      tpu.vector_store %arg8[%swap3A_56, %swap3A_57], %broadcast_in_dim3A_1 {strides = array<i32>} : memref<128x128xf32, #tpu.memory_space<vmem>>, vector<16xf32>,
      %swap3A_59 = arith.index_cast %scan3A_47 : i32 to index
      %swap3A_60 = arith.constant 64 : index
      %swap3A_61 = tpu.vector_load %arg8[%swap3A_59, %swap3A_60] {strides = array<i32>} : memref<128x128xf32, #tpu.memory_space<vmem>>, vector<16xf32>,
      tpu.vector_store %arg8[%swap3A_59, %swap3A_60], %broadcast_in_dim3A_1 {strides = array<i32>} : memref<128x128xf32, #tpu.memory_space<vmem>>, vector<16xf32>,
      %swap3A_62 = arith.index_cast %scan3A_47 : i32 to index
      %swap3A_63 = arith.constant 80 : index
      %swap3A_64 = tpu.vector_load %arg8[%swap3A_62, %swap3A_63] {strides = array<i32>} : memref<128x128xf32, #tpu.memory_space<vmem>>, vector<16xf32>,
      tpu.vector_store %arg8[%swap3A_62, %swap3A_63], %broadcast_in_dim3A_1 {strides = array<i32>} : memref<128x128xf32, #tpu.memory_space<vmem>>, vector<16xf32>,
      %swap3A_65 = arith.index_cast %scan3A_47 : i32 to index
      %swap3A_66 = arith.constant 96 : index
      %swap3A_67 = tpu.vector_load %arg8[%swap3A_65, %swap3A_66] {strides = array<i32>} : memref<128x128xf32, #tpu.memory_space<vmem>>, vector<16xf32>,
      tpu.vector_store %arg8[%swap3A_65, %swap3A_66], %broadcast_in_dim3A_1 {strides = array<i32>} : memref<128x128xf32, #tpu.memory_space<vmem>>, vector<16xf32>,
      %swap3A_68 = arith.index_cast %scan3A_47 : i32 to index
      %swap3A_69 = arith.constant 112 : index
      %swap3A_70 = tpu.vector_load %arg8[%swap3A_68, %swap3A_69] {strides = array<i32>} : memref<128x128xf32, #tpu.memory_space<vmem>>, vector<16xf32>,
      tpu.vector_store %arg8[%swap3A_68, %swap3A_69], %broadcast_in_dim3A_1 {strides = array<i32>} : memref<128x128xf32, #tpu.memory_space<vmem>>, vector<16xf32>,
    }
    %scan3A_6 = arith.constant 128 : i32
    %mul3A_7 = arith.constant 640 : i32
    %mul3A_8 = arith.muli %arg1, %mul3A_7 : i32
    %scan3A_9 = arith.constant 0 : i32
    %scan3A_10 = arith.constant 0 : i32
    %scan3A_11 = arith.constant 5 : i32
    %scan3A_12 = arith.addi %scan3A_10, %scan3A_11 : i32
    %scan3A_13 = arith.constant 1 : i32
    scf.for %scan3A_47 = %scan3A_10 to %scan3A_12 step %scan3A_13  : i32 {
      %mul3A_48 = arith.constant 128 : i32
      %mul3A_49 = arith.muli %scan3A_47, %mul3A_48 : i32
      %add3A_50 = arith.addi %mul3A_8, %mul3A_49 : i32
      "tpu.region"() ({
        %run_scoped3A = tpu.sem_alloc : memref<!tpu.dma_semaphore, #tpu.memory_space<semaphore_mem>>
        %dma_start3A_51 = arith.constant 0 : i32
        %dma_start3A_52 = arith.constant 0 : i32
        %dma_start3A_53 = tpu.memref_slice %arg8[%dma_start3A_51, %dma_start3A_52] : memref<128x128xf32, #tpu.memory_space<vmem>> -> memref<128x128xf32, #tpu.memory_space<vmem>>
        %dma_start3A_54 = arith.constant 0 : i32
        %dma_start3A_55 = tpu.memref_slice %arg10[%add3A_50, %dma_start3A_54] : memref<10240x128xf32, #tpu.memory_space<vmem_shared>> -> memref<128x128xf32, #tpu.memory_space<vmem_shared>>
        %dma_start3A_56 = arith.constant 0 : i32
        %dma_start3A_57 = tpu.memref_slice %arg10[%add3A_50, %dma_start3A_56] : memref<10240x128xf32, #tpu.memory_space<vmem_shared>> -> memref<128x128xf32, #tpu.memory_space<vmem_shared>>
        %dma_start3A_58 = arith.constant 0 : i32
        %dma_start3A_59 = arith.constant 0 : i32
        %dma_start3A_60 = tpu.memref_slice %arg8[%dma_start3A_58, %dma_start3A_59] : memref<128x128xf32, #tpu.memory_space<vmem>> -> memref<128x128xf32, #tpu.memory_space<vmem>>
        tpu.enqueue_dma source(%dma_start3A_60 : memref<128x128xf32, #tpu.memory_space<vmem>>) target(%dma_start3A_57 : memref<128x128xf32, #tpu.memory_space<vmem_shared>>) target_semaphore(%run_scoped3A : memref<!tpu.dma_semaphore, #tpu.memory_space<semaphore_mem>>)
        %dma_wait3A = arith.constant 0 : i32
        %dma_wait3A_61 = arith.constant 0 : i32
        %dma_wait3A_62 = tpu.memref_slice %arg8[%dma_wait3A, %dma_wait3A_61] : memref<128x128xf32, #tpu.memory_space<vmem>> -> memref<128x128xf32, #tpu.memory_space<vmem>>
        %dma_wait3A_63 = arith.constant 0 : i32
        %dma_wait3A_64 = tpu.memref_slice %arg10[%add3A_50, %dma_wait3A_63] : memref<10240x128xf32, #tpu.memory_space<vmem_shared>> -> memref<128x128xf32, #tpu.memory_space<vmem_shared>>
        %dma_wait3A_65 = arith.constant 0 : i32
        %dma_wait3A_66 = tpu.memref_slice %arg10[%add3A_50, %dma_wait3A_65] : memref<10240x128xf32, #tpu.memory_space<vmem_shared>> -> memref<128x128xf32, #tpu.memory_space<vmem_shared>>
        %dma_wait3A_67 = arith.constant 0 : i32
        %dma_wait3A_68 = arith.constant 0 : i32
        %dma_wait3A_69 = tpu.memref_slice %arg8[%dma_wait3A_67, %dma_wait3A_68] : memref<128x128xf32, #tpu.memory_space<vmem>> -> memref<128x128xf32, #tpu.memory_space<vmem>>
        tpu.wait_dma2 semaphore(%run_scoped3A : memref<!tpu.dma_semaphore, #tpu.memory_space<semaphore_mem>>) src(%dma_wait3A_69 : memref<128x128xf32, #tpu.memory_space<vmem>>) dst(%dma_wait3A_66 : memref<128x128xf32, #tpu.memory_space<vmem_shared>>)
        tpu.yield
      }) : () -> ()
    }
    %scan3A_14 = arith.constant 5 : i32
    %barrier3A = arith.constant 0 : index
    tpu.barrier barrier_id(%barrier3A)
    "tpu.region"() ({
      %run_scoped3A = tpu.sem_alloc : memref<!tpu.dma_semaphore, #tpu.memory_space<semaphore_mem>>
      %dma_start3A_47 = arith.constant 0 : i32
      %dma_start3A_48 = arith.constant 0 : i32
      %dma_start3A_49 = tpu.memref_slice %arg2[%add3A, %dma_start3A_47, %dma_start3A_48] : memref<32x80x128xi32, #tpu.memory_space<hbm>> -> memref<1x80x128xi32, #tpu.memory_space<hbm>>
      %dma_start3A_50 = tpu.memref_squeeze %dma_start3A_49 : memref<1x80x128xi32, #tpu.memory_space<hbm>> -> memref<80x128xi32, #tpu.memory_space<hbm>>
      %dma_start3A_51 = arith.constant 0 : i32
      %dma_start3A_52 = arith.constant 0 : i32
      %dma_start3A_53 = tpu.memref_slice %dma_start3A_50[%dma_start3A_51, %dma_start3A_52] : memref<80x128xi32, #tpu.memory_space<hbm>> -> memref<40x128xi32, #tpu.memory_space<hbm>>
      %dma_start3A_54 = arith.constant 0 : i32
      %dma_start3A_55 = arith.constant 0 : i32
      %dma_start3A_56 = tpu.memref_slice %arg2[%add3A, %dma_start3A_54, %dma_start3A_55] : memref<32x80x128xi32, #tpu.memory_space<hbm>> -> memref<1x80x128xi32, #tpu.memory_space<hbm>>
      %dma_start3A_57 = tpu.memref_squeeze %dma_start3A_56 : memref<1x80x128xi32, #tpu.memory_space<hbm>> -> memref<80x128xi32, #tpu.memory_space<hbm>>
      %dma_start3A_58 = arith.constant 0 : i32
      %dma_start3A_59 = arith.constant 0 : i32
      %dma_start3A_60 = tpu.memref_slice %dma_start3A_57[%dma_start3A_58, %dma_start3A_59] : memref<80x128xi32, #tpu.memory_space<hbm>> -> memref<40x128xi32, #tpu.memory_space<hbm>>
      tpu.enqueue_dma source(%dma_start3A_60 : memref<40x128xi32, #tpu.memory_space<hbm>>) target(%arg6 : memref<40x128xi32, #tpu.memory_space<vmem>>) target_semaphore(%run_scoped3A : memref<!tpu.dma_semaphore, #tpu.memory_space<semaphore_mem>>)
      %dma_wait3A = arith.constant 0 : i32
      %dma_wait3A_61 = arith.constant 0 : i32
      %dma_wait3A_62 = tpu.memref_slice %arg2[%add3A, %dma_wait3A, %dma_wait3A_61] : memref<32x80x128xi32, #tpu.memory_space<hbm>> -> memref<1x80x128xi32, #tpu.memory_space<hbm>>
      %dma_wait3A_63 = tpu.memref_squeeze %dma_wait3A_62 : memref<1x80x128xi32, #tpu.memory_space<hbm>> -> memref<80x128xi32, #tpu.memory_space<hbm>>
      %dma_wait3A_64 = arith.constant 0 : i32
      %dma_wait3A_65 = arith.constant 0 : i32
      %dma_wait3A_66 = tpu.memref_slice %dma_wait3A_63[%dma_wait3A_64, %dma_wait3A_65] : memref<80x128xi32, #tpu.memory_space<hbm>> -> memref<40x128xi32, #tpu.memory_space<hbm>>
      %dma_wait3A_67 = arith.constant 0 : i32
      %dma_wait3A_68 = arith.constant 0 : i32
      %dma_wait3A_69 = tpu.memref_slice %arg2[%add3A, %dma_wait3A_67, %dma_wait3A_68] : memref<32x80x128xi32, #tpu.memory_space<hbm>> -> memref<1x80x128xi32, #tpu.memory_space<hbm>>
      %dma_wait3A_70 = tpu.memref_squeeze %dma_wait3A_69 : memref<1x80x128xi32, #tpu.memory_space<hbm>> -> memref<80x128xi32, #tpu.memory_space<hbm>>
      %dma_wait3A_71 = arith.constant 0 : i32
      %dma_wait3A_72 = arith.constant 0 : i32
      %dma_wait3A_73 = tpu.memref_slice %dma_wait3A_70[%dma_wait3A_71, %dma_wait3A_72] : memref<80x128xi32, #tpu.memory_space<hbm>> -> memref<40x128xi32, #tpu.memory_space<hbm>>
      tpu.wait_dma2 semaphore(%run_scoped3A : memref<!tpu.dma_semaphore, #tpu.memory_space<semaphore_mem>>) src(%dma_wait3A_73 : memref<40x128xi32, #tpu.memory_space<hbm>>) dst(%arg6 : memref<40x128xi32, #tpu.memory_space<vmem>>)
      tpu.yield
    }) : () -> ()
    "tpu.region"() ({
      %run_scoped3A = tpu.sem_alloc : memref<!tpu.dma_semaphore, #tpu.memory_space<semaphore_mem>>
      %dma_start3A_47 = arith.constant 0 : i32
      %dma_start3A_48 = arith.constant 0 : i32
      %dma_start3A_49 = tpu.memref_slice %arg3[%add3A, %dma_start3A_47, %dma_start3A_48] : memref<32x80x128xi32, #tpu.memory_space<hbm>> -> memref<1x80x128xi32, #tpu.memory_space<hbm>>
      %dma_start3A_50 = tpu.memref_squeeze %dma_start3A_49 : memref<1x80x128xi32, #tpu.memory_space<hbm>> -> memref<80x128xi32, #tpu.memory_space<hbm>>
      %dma_start3A_51 = arith.constant 0 : i32
      %dma_start3A_52 = arith.constant 0 : i32
      %dma_start3A_53 = tpu.memref_slice %dma_start3A_50[%dma_start3A_51, %dma_start3A_52] : memref<80x128xi32, #tpu.memory_space<hbm>> -> memref<40x128xi32, #tpu.memory_space<hbm>>
      %dma_start3A_54 = arith.constant 0 : i32
      %dma_start3A_55 = arith.constant 0 : i32
      %dma_start3A_56 = tpu.memref_slice %arg3[%add3A, %dma_start3A_54, %dma_start3A_55] : memref<32x80x128xi32, #tpu.memory_space<hbm>> -> memref<1x80x128xi32, #tpu.memory_space<hbm>>
      %dma_start3A_57 = tpu.memref_squeeze %dma_start3A_56 : memref<1x80x128xi32, #tpu.memory_space<hbm>> -> memref<80x128xi32, #tpu.memory_space<hbm>>
      %dma_start3A_58 = arith.constant 0 : i32
      %dma_start3A_59 = arith.constant 0 : i32
      %dma_start3A_60 = tpu.memref_slice %dma_start3A_57[%dma_start3A_58, %dma_start3A_59] : memref<80x128xi32, #tpu.memory_space<hbm>> -> memref<40x128xi32, #tpu.memory_space<hbm>>
      tpu.enqueue_dma source(%dma_start3A_60 : memref<40x128xi32, #tpu.memory_space<hbm>>) target(%arg7 : memref<40x128xi32, #tpu.memory_space<vmem>>) target_semaphore(%run_scoped3A : memref<!tpu.dma_semaphore, #tpu.memory_space<semaphore_mem>>)
      %dma_wait3A = arith.constant 0 : i32
      %dma_wait3A_61 = arith.constant 0 : i32
      %dma_wait3A_62 = tpu.memref_slice %arg3[%add3A, %dma_wait3A, %dma_wait3A_61] : memref<32x80x128xi32, #tpu.memory_space<hbm>> -> memref<1x80x128xi32, #tpu.memory_space<hbm>>
      %dma_wait3A_63 = tpu.memref_squeeze %dma_wait3A_62 : memref<1x80x128xi32, #tpu.memory_space<hbm>> -> memref<80x128xi32, #tpu.memory_space<hbm>>
      %dma_wait3A_64 = arith.constant 0 : i32
      %dma_wait3A_65 = arith.constant 0 : i32
      %dma_wait3A_66 = tpu.memref_slice %dma_wait3A_63[%dma_wait3A_64, %dma_wait3A_65] : memref<80x128xi32, #tpu.memory_space<hbm>> -> memref<40x128xi32, #tpu.memory_space<hbm>>
      %dma_wait3A_67 = arith.constant 0 : i32
      %dma_wait3A_68 = arith.constant 0 : i32
      %dma_wait3A_69 = tpu.memref_slice %arg3[%add3A, %dma_wait3A_67, %dma_wait3A_68] : memref<32x80x128xi32, #tpu.memory_space<hbm>> -> memref<1x80x128xi32, #tpu.memory_space<hbm>>
      %dma_wait3A_70 = tpu.memref_squeeze %dma_wait3A_69 : memref<1x80x128xi32, #tpu.memory_space<hbm>> -> memref<80x128xi32, #tpu.memory_space<hbm>>
      %dma_wait3A_71 = arith.constant 0 : i32
      %dma_wait3A_72 = arith.constant 0 : i32
      %dma_wait3A_73 = tpu.memref_slice %dma_wait3A_70[%dma_wait3A_71, %dma_wait3A_72] : memref<80x128xi32, #tpu.memory_space<hbm>> -> memref<40x128xi32, #tpu.memory_space<hbm>>
      tpu.wait_dma2 semaphore(%run_scoped3A : memref<!tpu.dma_semaphore, #tpu.memory_space<semaphore_mem>>) src(%dma_wait3A_73 : memref<40x128xi32, #tpu.memory_space<hbm>>) dst(%arg7 : memref<40x128xi32, #tpu.memory_space<vmem>>)
      tpu.yield
    }) : () -> ()
    %dma_start3A = arith.constant 0 : i32
    %dma_start3A_15 = arith.constant 0 : i32
    %dma_start3A_16 = tpu.memref_slice %arg6[%dma_start3A, %dma_start3A_15] : memref<40x128xi32, #tpu.memory_space<vmem>> -> memref<1x128xi32, #tpu.memory_space<vmem>>
    %dma_start3A_17 = tpu.memref_squeeze %dma_start3A_16 : memref<1x128xi32, #tpu.memory_space<vmem>> -> memref<128xi32, #tpu.memory_space<vmem>>
    %dma_start3A_18 = arith.constant 0 : i32
    %dma_start3A_19 = arith.constant 0 : i32
    %dma_start3A_20 = tpu.memref_slice %arg4[%dma_start3A_18, %dma_start3A_19] : memref<10240x128xf32, #tpu.memory_space<hbm>> -> memref<10240x128xf32, #tpu.memory_space<hbm>>
    tpu.enqueue_indirect_dma source(%dma_start3A_20 : memref<10240x128xf32, #tpu.memory_space<hbm>>) target(%arg8 : memref<128x128xf32, #tpu.memory_space<vmem>>) offsets(%dma_start3A_17 : memref<128xi32, #tpu.memory_space<vmem>>) semaphore(%arg11 : memref<!tpu.dma_semaphore, #tpu.memory_space<semaphore_mem>>)
    %scan3A_21 = arith.constant 0 : i32
    %scan3A_22 = arith.constant 0 : i32
    %scan3A_23 = arith.constant 20 : i32
    %scan3A_24 = arith.addi %scan3A_22, %scan3A_23 : i32
    %scan3A_25 = arith.constant 1 : i32
    scf.for %scan3A_47 = %scan3A_22 to %scan3A_24 step %scan3A_25  : i32 {
      %mul3A_48 = arith.constant 2 : i32
      %mul3A_49 = arith.muli %scan3A_47, %mul3A_48 : i32
      %add3A_50 = arith.constant 1 : i32
      %add3A_51 = arith.addi %mul3A_49, %add3A_50 : i32
      %dma_start3A_52 = arith.constant 0 : i32
      %dma_start3A_53 = tpu.memref_slice %arg6[%add3A_51, %dma_start3A_52] : memref<40x128xi32, #tpu.memory_space<vmem>> -> memref<1x128xi32, #tpu.memory_space<vmem>>
      %dma_start3A_54 = tpu.memref_squeeze %dma_start3A_53 : memref<1x128xi32, #tpu.memory_space<vmem>> -> memref<128xi32, #tpu.memory_space<vmem>>
      %dma_start3A_55 = arith.constant 0 : i32
      %dma_start3A_56 = arith.constant 0 : i32
      %dma_start3A_57 = tpu.memref_slice %arg4[%dma_start3A_55, %dma_start3A_56] : memref<10240x128xf32, #tpu.memory_space<hbm>> -> memref<10240x128xf32, #tpu.memory_space<hbm>>
      tpu.enqueue_indirect_dma source(%dma_start3A_57 : memref<10240x128xf32, #tpu.memory_space<hbm>>) target(%arg9 : memref<128x128xf32, #tpu.memory_space<vmem>>) offsets(%dma_start3A_54 : memref<128xi32, #tpu.memory_space<vmem>>) semaphore(%arg12 : memref<!tpu.dma_semaphore, #tpu.memory_space<semaphore_mem>>)
      %dma_wait3A = arith.constant 0 : i32
      %dma_wait3A_58 = tpu.memref_slice %arg6[%mul3A_49, %dma_wait3A] : memref<40x128xi32, #tpu.memory_space<vmem>> -> memref<1x128xi32, #tpu.memory_space<vmem>>
      %dma_wait3A_59 = tpu.memref_squeeze %dma_wait3A_58 : memref<1x128xi32, #tpu.memory_space<vmem>> -> memref<128xi32, #tpu.memory_space<vmem>>
      %dma_wait3A_60 = arith.constant 0 : i32
      %dma_wait3A_61 = arith.constant 0 : i32
      %dma_wait3A_62 = tpu.memref_slice %arg4[%dma_wait3A_60, %dma_wait3A_61] : memref<10240x128xf32, #tpu.memory_space<hbm>> -> memref<10240x128xf32, #tpu.memory_space<hbm>>
      tpu.wait_indirect_dma semaphore(%arg11 : memref<!tpu.dma_semaphore, #tpu.memory_space<semaphore_mem>>) src(%dma_wait3A_62 : memref<10240x128xf32, #tpu.memory_space<hbm>>) dst(%arg8 : memref<128x128xf32, #tpu.memory_space<vmem>>)
      "tpu.region"() ({
        %run_scoped3A = tpu.sem_alloc : memref<!tpu.dma_semaphore, #tpu.memory_space<semaphore_mem>>
        %dma_start3A_77 = arith.constant 0 : i32
        %dma_start3A_78 = tpu.memref_slice %arg7[%mul3A_49, %dma_start3A_77] : memref<40x128xi32, #tpu.memory_space<vmem>> -> memref<1x128xi32, #tpu.memory_space<vmem>>
        %dma_start3A_79 = tpu.memref_squeeze %dma_start3A_78 : memref<1x128xi32, #tpu.memory_space<vmem>> -> memref<128xi32, #tpu.memory_space<vmem>>
        %dma_start3A_80 = arith.constant 0 : i32
        %dma_start3A_81 = arith.constant 0 : i32
        %dma_start3A_82 = tpu.memref_slice %arg10[%dma_start3A_80, %dma_start3A_81] : memref<10240x128xf32, #tpu.memory_space<vmem_shared>> -> memref<10240x128xf32, #tpu.memory_space<vmem_shared>>
        tpu.enqueue_indirect_dma source(%arg8 : memref<128x128xf32, #tpu.memory_space<vmem>>) target(%dma_start3A_82 : memref<10240x128xf32, #tpu.memory_space<vmem_shared>>) offsets(%dma_start3A_79 : memref<128xi32, #tpu.memory_space<vmem>>) semaphore(%run_scoped3A : memref<!tpu.dma_semaphore, #tpu.memory_space<semaphore_mem>>) {add = true}
        %dma_wait3A_83 = arith.constant 0 : i32
        %dma_wait3A_84 = tpu.memref_slice %arg7[%mul3A_49, %dma_wait3A_83] : memref<40x128xi32, #tpu.memory_space<vmem>> -> memref<1x128xi32, #tpu.memory_space<vmem>>
        %dma_wait3A_85 = tpu.memref_squeeze %dma_wait3A_84 : memref<1x128xi32, #tpu.memory_space<vmem>> -> memref<128xi32, #tpu.memory_space<vmem>>
        %dma_wait3A_86 = arith.constant 0 : i32
        %dma_wait3A_87 = arith.constant 0 : i32
        %dma_wait3A_88 = tpu.memref_slice %arg10[%dma_wait3A_86, %dma_wait3A_87] : memref<10240x128xf32, #tpu.memory_space<vmem_shared>> -> memref<10240x128xf32, #tpu.memory_space<vmem_shared>>
        tpu.wait_indirect_dma semaphore(%run_scoped3A : memref<!tpu.dma_semaphore, #tpu.memory_space<semaphore_mem>>) src(%arg8 : memref<128x128xf32, #tpu.memory_space<vmem>>) dst(%dma_wait3A_88 : memref<10240x128xf32, #tpu.memory_space<vmem_shared>>)
        tpu.yield
      }) : () -> ()
      %add3A_63 = arith.constant 2 : i32
      %add3A_64 = arith.addi %mul3A_49, %add3A_63 : i32
      %lt3A = arith.constant 40 : i32
      %lt3A_65 = arith.cmpi slt, %add3A_64, %lt3A : i32
      %convert_element_type3A = arith.extui %lt3A_65 : i1 to i32
      %cond3A = arith.constant 0 : i32
      %cond3A_66 = arith.cmpi ne, %convert_element_type3A, %cond3A : i32
      scf.if %cond3A_66 {
        %add3A_77 = arith.constant 2 : i32
        %add3A_78 = arith.addi %mul3A_49, %add3A_77 : i32
        %dma_start3A_79 = arith.constant 0 : i32
        %dma_start3A_80 = tpu.memref_slice %arg6[%add3A_78, %dma_start3A_79] : memref<40x128xi32, #tpu.memory_space<vmem>> -> memref<1x128xi32, #tpu.memory_space<vmem>>
        %dma_start3A_81 = tpu.memref_squeeze %dma_start3A_80 : memref<1x128xi32, #tpu.memory_space<vmem>> -> memref<128xi32, #tpu.memory_space<vmem>>
        %dma_start3A_82 = arith.constant 0 : i32
        %dma_start3A_83 = arith.constant 0 : i32
        %dma_start3A_84 = tpu.memref_slice %arg4[%dma_start3A_82, %dma_start3A_83] : memref<10240x128xf32, #tpu.memory_space<hbm>> -> memref<10240x128xf32, #tpu.memory_space<hbm>>
        tpu.enqueue_indirect_dma source(%dma_start3A_84 : memref<10240x128xf32, #tpu.memory_space<hbm>>) target(%arg8 : memref<128x128xf32, #tpu.memory_space<vmem>>) offsets(%dma_start3A_81 : memref<128xi32, #tpu.memory_space<vmem>>) semaphore(%arg11 : memref<!tpu.dma_semaphore, #tpu.memory_space<semaphore_mem>>)
      } else {
      }
      %add3A_67 = arith.constant 1 : i32
      %add3A_68 = arith.addi %mul3A_49, %add3A_67 : i32
      %dma_wait3A_69 = arith.constant 0 : i32
      %dma_wait3A_70 = tpu.memref_slice %arg6[%add3A_68, %dma_wait3A_69] : memref<40x128xi32, #tpu.memory_space<vmem>> -> memref<1x128xi32, #tpu.memory_space<vmem>>
      %dma_wait3A_71 = tpu.memref_squeeze %dma_wait3A_70 : memref<1x128xi32, #tpu.memory_space<vmem>> -> memref<128xi32, #tpu.memory_space<vmem>>
      %dma_wait3A_72 = arith.constant 0 : i32
      %dma_wait3A_73 = arith.constant 0 : i32
      %dma_wait3A_74 = tpu.memref_slice %arg4[%dma_wait3A_72, %dma_wait3A_73] : memref<10240x128xf32, #tpu.memory_space<hbm>> -> memref<10240x128xf32, #tpu.memory_space<hbm>>
      tpu.wait_indirect_dma semaphore(%arg12 : memref<!tpu.dma_semaphore, #tpu.memory_space<semaphore_mem>>) src(%dma_wait3A_74 : memref<10240x128xf32, #tpu.memory_space<hbm>>) dst(%arg9 : memref<128x128xf32, #tpu.memory_space<vmem>>)
      %add3A_75 = arith.constant 1 : i32
      %add3A_76 = arith.addi %mul3A_49, %add3A_75 : i32
      "tpu.region"() ({
        %run_scoped3A = tpu.sem_alloc : memref<!tpu.dma_semaphore, #tpu.memory_space<semaphore_mem>>
        %dma_start3A_77 = arith.constant 0 : i32
        %dma_start3A_78 = tpu.memref_slice %arg7[%add3A_76, %dma_start3A_77] : memref<40x128xi32, #tpu.memory_space<vmem>> -> memref<1x128xi32, #tpu.memory_space<vmem>>
        %dma_start3A_79 = tpu.memref_squeeze %dma_start3A_78 : memref<1x128xi32, #tpu.memory_space<vmem>> -> memref<128xi32, #tpu.memory_space<vmem>>
        %dma_start3A_80 = arith.constant 0 : i32
        %dma_start3A_81 = arith.constant 0 : i32
        %dma_start3A_82 = tpu.memref_slice %arg10[%dma_start3A_80, %dma_start3A_81] : memref<10240x128xf32, #tpu.memory_space<vmem_shared>> -> memref<10240x128xf32, #tpu.memory_space<vmem_shared>>
        tpu.enqueue_indirect_dma source(%arg9 : memref<128x128xf32, #tpu.memory_space<vmem>>) target(%dma_start3A_82 : memref<10240x128xf32, #tpu.memory_space<vmem_shared>>) offsets(%dma_start3A_79 : memref<128xi32, #tpu.memory_space<vmem>>) semaphore(%run_scoped3A : memref<!tpu.dma_semaphore, #tpu.memory_space<semaphore_mem>>) {add = true}
        %dma_wait3A_83 = arith.constant 0 : i32
        %dma_wait3A_84 = tpu.memref_slice %arg7[%add3A_76, %dma_wait3A_83] : memref<40x128xi32, #tpu.memory_space<vmem>> -> memref<1x128xi32, #tpu.memory_space<vmem>>
        %dma_wait3A_85 = tpu.memref_squeeze %dma_wait3A_84 : memref<1x128xi32, #tpu.memory_space<vmem>> -> memref<128xi32, #tpu.memory_space<vmem>>
        %dma_wait3A_86 = arith.constant 0 : i32
        %dma_wait3A_87 = arith.constant 0 : i32
        %dma_wait3A_88 = tpu.memref_slice %arg10[%dma_wait3A_86, %dma_wait3A_87] : memref<10240x128xf32, #tpu.memory_space<vmem_shared>> -> memref<10240x128xf32, #tpu.memory_space<vmem_shared>>
        tpu.wait_indirect_dma semaphore(%run_scoped3A : memref<!tpu.dma_semaphore, #tpu.memory_space<semaphore_mem>>) src(%arg9 : memref<128x128xf32, #tpu.memory_space<vmem>>) dst(%dma_wait3A_88 : memref<10240x128xf32, #tpu.memory_space<vmem_shared>>)
        tpu.yield
      }) : () -> ()
    }
    %scan3A_26 = arith.constant 20 : i32
    "tpu.region"() ({
      %run_scoped3A = tpu.sem_alloc : memref<!tpu.dma_semaphore, #tpu.memory_space<semaphore_mem>>
      %dma_start3A_47 = arith.constant 0 : i32
      %dma_start3A_48 = arith.constant 0 : i32
      %dma_start3A_49 = tpu.memref_slice %arg2[%add3A, %dma_start3A_47, %dma_start3A_48] : memref<32x80x128xi32, #tpu.memory_space<hbm>> -> memref<1x80x128xi32, #tpu.memory_space<hbm>>
      %dma_start3A_50 = tpu.memref_squeeze %dma_start3A_49 : memref<1x80x128xi32, #tpu.memory_space<hbm>> -> memref<80x128xi32, #tpu.memory_space<hbm>>
      %dma_start3A_51 = arith.constant 40 : i32
      %dma_start3A_52 = arith.constant 0 : i32
      %dma_start3A_53 = tpu.memref_slice %dma_start3A_50[%dma_start3A_51, %dma_start3A_52] : memref<80x128xi32, #tpu.memory_space<hbm>> -> memref<40x128xi32, #tpu.memory_space<hbm>>
      %dma_start3A_54 = arith.constant 0 : i32
      %dma_start3A_55 = arith.constant 0 : i32
      %dma_start3A_56 = tpu.memref_slice %arg2[%add3A, %dma_start3A_54, %dma_start3A_55] : memref<32x80x128xi32, #tpu.memory_space<hbm>> -> memref<1x80x128xi32, #tpu.memory_space<hbm>>
      %dma_start3A_57 = tpu.memref_squeeze %dma_start3A_56 : memref<1x80x128xi32, #tpu.memory_space<hbm>> -> memref<80x128xi32, #tpu.memory_space<hbm>>
      %dma_start3A_58 = arith.constant 40 : i32
      %dma_start3A_59 = arith.constant 0 : i32
      %dma_start3A_60 = tpu.memref_slice %dma_start3A_57[%dma_start3A_58, %dma_start3A_59] : memref<80x128xi32, #tpu.memory_space<hbm>> -> memref<40x128xi32, #tpu.memory_space<hbm>>
      tpu.enqueue_dma source(%dma_start3A_60 : memref<40x128xi32, #tpu.memory_space<hbm>>) target(%arg6 : memref<40x128xi32, #tpu.memory_space<vmem>>) target_semaphore(%run_scoped3A : memref<!tpu.dma_semaphore, #tpu.memory_space<semaphore_mem>>)
      %dma_wait3A = arith.constant 0 : i32
      %dma_wait3A_61 = arith.constant 0 : i32
      %dma_wait3A_62 = tpu.memref_slice %arg2[%add3A, %dma_wait3A, %dma_wait3A_61] : memref<32x80x128xi32, #tpu.memory_space<hbm>> -> memref<1x80x128xi32, #tpu.memory_space<hbm>>
      %dma_wait3A_63 = tpu.memref_squeeze %dma_wait3A_62 : memref<1x80x128xi32, #tpu.memory_space<hbm>> -> memref<80x128xi32, #tpu.memory_space<hbm>>
      %dma_wait3A_64 = arith.constant 40 : i32
      %dma_wait3A_65 = arith.constant 0 : i32
      %dma_wait3A_66 = tpu.memref_slice %dma_wait3A_63[%dma_wait3A_64, %dma_wait3A_65] : memref<80x128xi32, #tpu.memory_space<hbm>> -> memref<40x128xi32, #tpu.memory_space<hbm>>
      %dma_wait3A_67 = arith.constant 0 : i32
      %dma_wait3A_68 = arith.constant 0 : i32
      %dma_wait3A_69 = tpu.memref_slice %arg2[%add3A, %dma_wait3A_67, %dma_wait3A_68] : memref<32x80x128xi32, #tpu.memory_space<hbm>> -> memref<1x80x128xi32, #tpu.memory_space<hbm>>
      %dma_wait3A_70 = tpu.memref_squeeze %dma_wait3A_69 : memref<1x80x128xi32, #tpu.memory_space<hbm>> -> memref<80x128xi32, #tpu.memory_space<hbm>>
      %dma_wait3A_71 = arith.constant 40 : i32
      %dma_wait3A_72 = arith.constant 0 : i32
      %dma_wait3A_73 = tpu.memref_slice %dma_wait3A_70[%dma_wait3A_71, %dma_wait3A_72] : memref<80x128xi32, #tpu.memory_space<hbm>> -> memref<40x128xi32, #tpu.memory_space<hbm>>
      tpu.wait_dma2 semaphore(%run_scoped3A : memref<!tpu.dma_semaphore, #tpu.memory_space<semaphore_mem>>) src(%dma_wait3A_73 : memref<40x128xi32, #tpu.memory_space<hbm>>) dst(%arg6 : memref<40x128xi32, #tpu.memory_space<vmem>>)
      tpu.yield
    }) : () -> ()
    "tpu.region"() ({
      %run_scoped3A = tpu.sem_alloc : memref<!tpu.dma_semaphore, #tpu.memory_space<semaphore_mem>>
      %dma_start3A_47 = arith.constant 0 : i32
      %dma_start3A_48 = arith.constant 0 : i32
      %dma_start3A_49 = tpu.memref_slice %arg3[%add3A, %dma_start3A_47, %dma_start3A_48] : memref<32x80x128xi32, #tpu.memory_space<hbm>> -> memref<1x80x128xi32, #tpu.memory_space<hbm>>
      %dma_start3A_50 = tpu.memref_squeeze %dma_start3A_49 : memref<1x80x128xi32, #tpu.memory_space<hbm>> -> memref<80x128xi32, #tpu.memory_space<hbm>>
      %dma_start3A_51 = arith.constant 40 : i32
      %dma_start3A_52 = arith.constant 0 : i32
      %dma_start3A_53 = tpu.memref_slice %dma_start3A_50[%dma_start3A_51, %dma_start3A_52] : memref<80x128xi32, #tpu.memory_space<hbm>> -> memref<40x128xi32, #tpu.memory_space<hbm>>
      %dma_start3A_54 = arith.constant 0 : i32
      %dma_start3A_55 = arith.constant 0 : i32
      %dma_start3A_56 = tpu.memref_slice %arg3[%add3A, %dma_start3A_54, %dma_start3A_55] : memref<32x80x128xi32, #tpu.memory_space<hbm>> -> memref<1x80x128xi32, #tpu.memory_space<hbm>>
      %dma_start3A_57 = tpu.memref_squeeze %dma_start3A_56 : memref<1x80x128xi32, #tpu.memory_space<hbm>> -> memref<80x128xi32, #tpu.memory_space<hbm>>
      %dma_start3A_58 = arith.constant 40 : i32
      %dma_start3A_59 = arith.constant 0 : i32
      %dma_start3A_60 = tpu.memref_slice %dma_start3A_57[%dma_start3A_58, %dma_start3A_59] : memref<80x128xi32, #tpu.memory_space<hbm>> -> memref<40x128xi32, #tpu.memory_space<hbm>>
      tpu.enqueue_dma source(%dma_start3A_60 : memref<40x128xi32, #tpu.memory_space<hbm>>) target(%arg7 : memref<40x128xi32, #tpu.memory_space<vmem>>) target_semaphore(%run_scoped3A : memref<!tpu.dma_semaphore, #tpu.memory_space<semaphore_mem>>)
      %dma_wait3A = arith.constant 0 : i32
      %dma_wait3A_61 = arith.constant 0 : i32
      %dma_wait3A_62 = tpu.memref_slice %arg3[%add3A, %dma_wait3A, %dma_wait3A_61] : memref<32x80x128xi32, #tpu.memory_space<hbm>> -> memref<1x80x128xi32, #tpu.memory_space<hbm>>
      %dma_wait3A_63 = tpu.memref_squeeze %dma_wait3A_62 : memref<1x80x128xi32, #tpu.memory_space<hbm>> -> memref<80x128xi32, #tpu.memory_space<hbm>>
      %dma_wait3A_64 = arith.constant 40 : i32
      %dma_wait3A_65 = arith.constant 0 : i32
      %dma_wait3A_66 = tpu.memref_slice %dma_wait3A_63[%dma_wait3A_64, %dma_wait3A_65] : memref<80x128xi32, #tpu.memory_space<hbm>> -> memref<40x128xi32, #tpu.memory_space<hbm>>
      %dma_wait3A_67 = arith.constant 0 : i32
      %dma_wait3A_68 = arith.constant 0 : i32
      %dma_wait3A_69 = tpu.memref_slice %arg3[%add3A, %dma_wait3A_67, %dma_wait3A_68] : memref<32x80x128xi32, #tpu.memory_space<hbm>> -> memref<1x80x128xi32, #tpu.memory_space<hbm>>
      %dma_wait3A_70 = tpu.memref_squeeze %dma_wait3A_69 : memref<1x80x128xi32, #tpu.memory_space<hbm>> -> memref<80x128xi32, #tpu.memory_space<hbm>>
      %dma_wait3A_71 = arith.constant 40 : i32
      %dma_wait3A_72 = arith.constant 0 : i32
      %dma_wait3A_73 = tpu.memref_slice %dma_wait3A_70[%dma_wait3A_71, %dma_wait3A_72] : memref<80x128xi32, #tpu.memory_space<hbm>> -> memref<40x128xi32, #tpu.memory_space<hbm>>
      tpu.wait_dma2 semaphore(%run_scoped3A : memref<!tpu.dma_semaphore, #tpu.memory_space<semaphore_mem>>) src(%dma_wait3A_73 : memref<40x128xi32, #tpu.memory_space<hbm>>) dst(%arg7 : memref<40x128xi32, #tpu.memory_space<vmem>>)
      tpu.yield
    }) : () -> ()
    %dma_start3A_27 = arith.constant 0 : i32
    %dma_start3A_28 = arith.constant 0 : i32
    %dma_start3A_29 = tpu.memref_slice %arg6[%dma_start3A_27, %dma_start3A_28] : memref<40x128xi32, #tpu.memory_space<vmem>> -> memref<1x128xi32, #tpu.memory_space<vmem>>
    %dma_start3A_30 = tpu.memref_squeeze %dma_start3A_29 : memref<1x128xi32, #tpu.memory_space<vmem>> -> memref<128xi32, #tpu.memory_space<vmem>>
    %dma_start3A_31 = arith.constant 0 : i32
    %dma_start3A_32 = arith.constant 0 : i32
    %dma_start3A_33 = tpu.memref_slice %arg4[%dma_start3A_31, %dma_start3A_32] : memref<10240x128xf32, #tpu.memory_space<hbm>> -> memref<10240x128xf32, #tpu.memory_space<hbm>>
    tpu.enqueue_indirect_dma source(%dma_start3A_33 : memref<10240x128xf32, #tpu.memory_space<hbm>>) target(%arg8 : memref<128x128xf32, #tpu.memory_space<vmem>>) offsets(%dma_start3A_30 : memref<128xi32, #tpu.memory_space<vmem>>) semaphore(%arg11 : memref<!tpu.dma_semaphore, #tpu.memory_space<semaphore_mem>>)
    %scan3A_34 = arith.constant 0 : i32
    %scan3A_35 = arith.constant 0 : i32
    %scan3A_36 = arith.constant 20 : i32
    %scan3A_37 = arith.addi %scan3A_35, %scan3A_36 : i32
    %scan3A_38 = arith.constant 1 : i32
    scf.for %scan3A_47 = %scan3A_35 to %scan3A_37 step %scan3A_38  : i32 {
      %mul3A_48 = arith.constant 2 : i32
      %mul3A_49 = arith.muli %scan3A_47, %mul3A_48 : i32
      %add3A_50 = arith.constant 1 : i32
      %add3A_51 = arith.addi %mul3A_49, %add3A_50 : i32
      %dma_start3A_52 = arith.constant 0 : i32
      %dma_start3A_53 = tpu.memref_slice %arg6[%add3A_51, %dma_start3A_52] : memref<40x128xi32, #tpu.memory_space<vmem>> -> memref<1x128xi32, #tpu.memory_space<vmem>>
      %dma_start3A_54 = tpu.memref_squeeze %dma_start3A_53 : memref<1x128xi32, #tpu.memory_space<vmem>> -> memref<128xi32, #tpu.memory_space<vmem>>
      %dma_start3A_55 = arith.constant 0 : i32
      %dma_start3A_56 = arith.constant 0 : i32
      %dma_start3A_57 = tpu.memref_slice %arg4[%dma_start3A_55, %dma_start3A_56] : memref<10240x128xf32, #tpu.memory_space<hbm>> -> memref<10240x128xf32, #tpu.memory_space<hbm>>
      tpu.enqueue_indirect_dma source(%dma_start3A_57 : memref<10240x128xf32, #tpu.memory_space<hbm>>) target(%arg9 : memref<128x128xf32, #tpu.memory_space<vmem>>) offsets(%dma_start3A_54 : memref<128xi32, #tpu.memory_space<vmem>>) semaphore(%arg12 : memref<!tpu.dma_semaphore, #tpu.memory_space<semaphore_mem>>)
      %dma_wait3A = arith.constant 0 : i32
      %dma_wait3A_58 = tpu.memref_slice %arg6[%mul3A_49, %dma_wait3A] : memref<40x128xi32, #tpu.memory_space<vmem>> -> memref<1x128xi32, #tpu.memory_space<vmem>>
      %dma_wait3A_59 = tpu.memref_squeeze %dma_wait3A_58 : memref<1x128xi32, #tpu.memory_space<vmem>> -> memref<128xi32, #tpu.memory_space<vmem>>
      %dma_wait3A_60 = arith.constant 0 : i32
      %dma_wait3A_61 = arith.constant 0 : i32
      %dma_wait3A_62 = tpu.memref_slice %arg4[%dma_wait3A_60, %dma_wait3A_61] : memref<10240x128xf32, #tpu.memory_space<hbm>> -> memref<10240x128xf32, #tpu.memory_space<hbm>>
      tpu.wait_indirect_dma semaphore(%arg11 : memref<!tpu.dma_semaphore, #tpu.memory_space<semaphore_mem>>) src(%dma_wait3A_62 : memref<10240x128xf32, #tpu.memory_space<hbm>>) dst(%arg8 : memref<128x128xf32, #tpu.memory_space<vmem>>)
      "tpu.region"() ({
        %run_scoped3A = tpu.sem_alloc : memref<!tpu.dma_semaphore, #tpu.memory_space<semaphore_mem>>
        %dma_start3A_77 = arith.constant 0 : i32
        %dma_start3A_78 = tpu.memref_slice %arg7[%mul3A_49, %dma_start3A_77] : memref<40x128xi32, #tpu.memory_space<vmem>> -> memref<1x128xi32, #tpu.memory_space<vmem>>
        %dma_start3A_79 = tpu.memref_squeeze %dma_start3A_78 : memref<1x128xi32, #tpu.memory_space<vmem>> -> memref<128xi32, #tpu.memory_space<vmem>>
        %dma_start3A_80 = arith.constant 0 : i32
        %dma_start3A_81 = arith.constant 0 : i32
        %dma_start3A_82 = tpu.memref_slice %arg10[%dma_start3A_80, %dma_start3A_81] : memref<10240x128xf32, #tpu.memory_space<vmem_shared>> -> memref<10240x128xf32, #tpu.memory_space<vmem_shared>>
        tpu.enqueue_indirect_dma source(%arg8 : memref<128x128xf32, #tpu.memory_space<vmem>>) target(%dma_start3A_82 : memref<10240x128xf32, #tpu.memory_space<vmem_shared>>) offsets(%dma_start3A_79 : memref<128xi32, #tpu.memory_space<vmem>>) semaphore(%run_scoped3A : memref<!tpu.dma_semaphore, #tpu.memory_space<semaphore_mem>>) {add = true}
        %dma_wait3A_83 = arith.constant 0 : i32
        %dma_wait3A_84 = tpu.memref_slice %arg7[%mul3A_49, %dma_wait3A_83] : memref<40x128xi32, #tpu.memory_space<vmem>> -> memref<1x128xi32, #tpu.memory_space<vmem>>
        %dma_wait3A_85 = tpu.memref_squeeze %dma_wait3A_84 : memref<1x128xi32, #tpu.memory_space<vmem>> -> memref<128xi32, #tpu.memory_space<vmem>>
        %dma_wait3A_86 = arith.constant 0 : i32
        %dma_wait3A_87 = arith.constant 0 : i32
        %dma_wait3A_88 = tpu.memref_slice %arg10[%dma_wait3A_86, %dma_wait3A_87] : memref<10240x128xf32, #tpu.memory_space<vmem_shared>> -> memref<10240x128xf32, #tpu.memory_space<vmem_shared>>
        tpu.wait_indirect_dma semaphore(%run_scoped3A : memref<!tpu.dma_semaphore, #tpu.memory_space<semaphore_mem>>) src(%arg8 : memref<128x128xf32, #tpu.memory_space<vmem>>) dst(%dma_wait3A_88 : memref<10240x128xf32, #tpu.memory_space<vmem_shared>>)
        tpu.yield
      }) : () -> ()
      %add3A_63 = arith.constant 2 : i32
      %add3A_64 = arith.addi %mul3A_49, %add3A_63 : i32
      %lt3A = arith.constant 40 : i32
      %lt3A_65 = arith.cmpi slt, %add3A_64, %lt3A : i32
      %convert_element_type3A = arith.extui %lt3A_65 : i1 to i32
      %cond3A = arith.constant 0 : i32
      %cond3A_66 = arith.cmpi ne, %convert_element_type3A, %cond3A : i32
      scf.if %cond3A_66 {
        %add3A_77 = arith.constant 2 : i32
        %add3A_78 = arith.addi %mul3A_49, %add3A_77 : i32
        %dma_start3A_79 = arith.constant 0 : i32
        %dma_start3A_80 = tpu.memref_slice %arg6[%add3A_78, %dma_start3A_79] : memref<40x128xi32, #tpu.memory_space<vmem>> -> memref<1x128xi32, #tpu.memory_space<vmem>>
        %dma_start3A_81 = tpu.memref_squeeze %dma_start3A_80 : memref<1x128xi32, #tpu.memory_space<vmem>> -> memref<128xi32, #tpu.memory_space<vmem>>
        %dma_start3A_82 = arith.constant 0 : i32
        %dma_start3A_83 = arith.constant 0 : i32
        %dma_start3A_84 = tpu.memref_slice %arg4[%dma_start3A_82, %dma_start3A_83] : memref<10240x128xf32, #tpu.memory_space<hbm>> -> memref<10240x128xf32, #tpu.memory_space<hbm>>
        tpu.enqueue_indirect_dma source(%dma_start3A_84 : memref<10240x128xf32, #tpu.memory_space<hbm>>) target(%arg8 : memref<128x128xf32, #tpu.memory_space<vmem>>) offsets(%dma_start3A_81 : memref<128xi32, #tpu.memory_space<vmem>>) semaphore(%arg11 : memref<!tpu.dma_semaphore, #tpu.memory_space<semaphore_mem>>)
      } else {
      }
      %add3A_67 = arith.constant 1 : i32
      %add3A_68 = arith.addi %mul3A_49, %add3A_67 : i32
      %dma_wait3A_69 = arith.constant 0 : i32
      %dma_wait3A_70 = tpu.memref_slice %arg6[%add3A_68, %dma_wait3A_69] : memref<40x128xi32, #tpu.memory_space<vmem>> -> memref<1x128xi32, #tpu.memory_space<vmem>>
      %dma_wait3A_71 = tpu.memref_squeeze %dma_wait3A_70 : memref<1x128xi32, #tpu.memory_space<vmem>> -> memref<128xi32, #tpu.memory_space<vmem>>
      %dma_wait3A_72 = arith.constant 0 : i32
      %dma_wait3A_73 = arith.constant 0 : i32
      %dma_wait3A_74 = tpu.memref_slice %arg4[%dma_wait3A_72, %dma_wait3A_73] : memref<10240x128xf32, #tpu.memory_space<hbm>> -> memref<10240x128xf32, #tpu.memory_space<hbm>>
      tpu.wait_indirect_dma semaphore(%arg12 : memref<!tpu.dma_semaphore, #tpu.memory_space<semaphore_mem>>) src(%dma_wait3A_74 : memref<10240x128xf32, #tpu.memory_space<hbm>>) dst(%arg9 : memref<128x128xf32, #tpu.memory_space<vmem>>)
      %add3A_75 = arith.constant 1 : i32
      %add3A_76 = arith.addi %mul3A_49, %add3A_75 : i32
      "tpu.region"() ({
        %run_scoped3A = tpu.sem_alloc : memref<!tpu.dma_semaphore, #tpu.memory_space<semaphore_mem>>
        %dma_start3A_77 = arith.constant 0 : i32
        %dma_start3A_78 = tpu.memref_slice %arg7[%add3A_76, %dma_start3A_77] : memref<40x128xi32, #tpu.memory_space<vmem>> -> memref<1x128xi32, #tpu.memory_space<vmem>>
        %dma_start3A_79 = tpu.memref_squeeze %dma_start3A_78 : memref<1x128xi32, #tpu.memory_space<vmem>> -> memref<128xi32, #tpu.memory_space<vmem>>
        %dma_start3A_80 = arith.constant 0 : i32
        %dma_start3A_81 = arith.constant 0 : i32
        %dma_start3A_82 = tpu.memref_slice %arg10[%dma_start3A_80, %dma_start3A_81] : memref<10240x128xf32, #tpu.memory_space<vmem_shared>> -> memref<10240x128xf32, #tpu.memory_space<vmem_shared>>
        tpu.enqueue_indirect_dma source(%arg9 : memref<128x128xf32, #tpu.memory_space<vmem>>) target(%dma_start3A_82 : memref<10240x128xf32, #tpu.memory_space<vmem_shared>>) offsets(%dma_start3A_79 : memref<128xi32, #tpu.memory_space<vmem>>) semaphore(%run_scoped3A : memref<!tpu.dma_semaphore, #tpu.memory_space<semaphore_mem>>) {add = true}
        %dma_wait3A_83 = arith.constant 0 : i32
        %dma_wait3A_84 = tpu.memref_slice %arg7[%add3A_76, %dma_wait3A_83] : memref<40x128xi32, #tpu.memory_space<vmem>> -> memref<1x128xi32, #tpu.memory_space<vmem>>
        %dma_wait3A_85 = tpu.memref_squeeze %dma_wait3A_84 : memref<1x128xi32, #tpu.memory_space<vmem>> -> memref<128xi32, #tpu.memory_space<vmem>>
        %dma_wait3A_86 = arith.constant 0 : i32
        %dma_wait3A_87 = arith.constant 0 : i32
        %dma_wait3A_88 = tpu.memref_slice %arg10[%dma_wait3A_86, %dma_wait3A_87] : memref<10240x128xf32, #tpu.memory_space<vmem_shared>> -> memref<10240x128xf32, #tpu.memory_space<vmem_shared>>
        tpu.wait_indirect_dma semaphore(%run_scoped3A : memref<!tpu.dma_semaphore, #tpu.memory_space<semaphore_mem>>) src(%arg9 : memref<128x128xf32, #tpu.memory_space<vmem>>) dst(%dma_wait3A_88 : memref<10240x128xf32, #tpu.memory_space<vmem_shared>>)
        tpu.yield
      }) : () -> ()
    }
    %scan3A_39 = arith.constant 20 : i32
    %barrier3A_40 = arith.constant 0 : index
    tpu.barrier barrier_id(%barrier3A_40)
    %scan3A_41 = arith.constant 0 : i32
    %scan3A_42 = arith.constant 0 : i32
    %scan3A_43 = arith.constant 5 : i32
    %scan3A_44 = arith.addi %scan3A_42, %scan3A_43 : i32
    %scan3A_45 = arith.constant 1 : i32
    scf.for %scan3A_47 = %scan3A_42 to %scan3A_44 step %scan3A_45  : i32 {
      %mul3A_48 = arith.constant 128 : i32
      %mul3A_49 = arith.muli %scan3A_47, %mul3A_48 : i32
      %add3A_50 = arith.addi %mul3A_8, %mul3A_49 : i32
      "tpu.region"() ({
        %run_scoped3A = tpu.sem_alloc : memref<!tpu.dma_semaphore, #tpu.memory_space<semaphore_mem>>
        %dma_start3A_51 = arith.constant 0 : i32
        %dma_start3A_52 = arith.constant 0 : i32
        %dma_start3A_53 = tpu.memref_slice %arg8[%dma_start3A_51, %dma_start3A_52] : memref<128x128xf32, #tpu.memory_space<vmem>> -> memref<128x128xf32, #tpu.memory_space<vmem>>
        %dma_start3A_54 = arith.constant 0 : i32
        %dma_start3A_55 = tpu.memref_slice %arg10[%add3A_50, %dma_start3A_54] : memref<10240x128xf32, #tpu.memory_space<vmem_shared>> -> memref<128x128xf32, #tpu.memory_space<vmem_shared>>
        %dma_start3A_56 = arith.constant 0 : i32
        %dma_start3A_57 = arith.constant 0 : i32
        %dma_start3A_58 = tpu.memref_slice %arg8[%dma_start3A_56, %dma_start3A_57] : memref<128x128xf32, #tpu.memory_space<vmem>> -> memref<128x128xf32, #tpu.memory_space<vmem>>
        %dma_start3A_59 = arith.constant 0 : i32
        %dma_start3A_60 = tpu.memref_slice %arg10[%add3A_50, %dma_start3A_59] : memref<10240x128xf32, #tpu.memory_space<vmem_shared>> -> memref<128x128xf32, #tpu.memory_space<vmem_shared>>
        tpu.enqueue_dma source(%dma_start3A_60 : memref<128x128xf32, #tpu.memory_space<vmem_shared>>) target(%dma_start3A_58 : memref<128x128xf32, #tpu.memory_space<vmem>>) target_semaphore(%run_scoped3A : memref<!tpu.dma_semaphore, #tpu.memory_space<semaphore_mem>>)
        %dma_wait3A = arith.constant 0 : i32
        %dma_wait3A_61 = arith.constant 0 : i32
        %dma_wait3A_62 = tpu.memref_slice %arg8[%dma_wait3A, %dma_wait3A_61] : memref<128x128xf32, #tpu.memory_space<vmem>> -> memref<128x128xf32, #tpu.memory_space<vmem>>
        %dma_wait3A_63 = arith.constant 0 : i32
        %dma_wait3A_64 = tpu.memref_slice %arg10[%add3A_50, %dma_wait3A_63] : memref<10240x128xf32, #tpu.memory_space<vmem_shared>> -> memref<128x128xf32, #tpu.memory_space<vmem_shared>>
        %dma_wait3A_65 = arith.constant 0 : i32
        %dma_wait3A_66 = arith.constant 0 : i32
        %dma_wait3A_67 = tpu.memref_slice %arg8[%dma_wait3A_65, %dma_wait3A_66] : memref<128x128xf32, #tpu.memory_space<vmem>> -> memref<128x128xf32, #tpu.memory_space<vmem>>
        %dma_wait3A_68 = arith.constant 0 : i32
        %dma_wait3A_69 = tpu.memref_slice %arg10[%add3A_50, %dma_wait3A_68] : memref<10240x128xf32, #tpu.memory_space<vmem_shared>> -> memref<128x128xf32, #tpu.memory_space<vmem_shared>>
        tpu.wait_dma2 semaphore(%run_scoped3A : memref<!tpu.dma_semaphore, #tpu.memory_space<semaphore_mem>>) src(%dma_wait3A_69 : memref<128x128xf32, #tpu.memory_space<vmem_shared>>) dst(%dma_wait3A_67 : memref<128x128xf32, #tpu.memory_space<vmem>>)
        tpu.yield
      }) : () -> ()
      "tpu.region"() ({
        %run_scoped3A = tpu.sem_alloc : memref<!tpu.dma_semaphore, #tpu.memory_space<semaphore_mem>>
        %dma_start3A_51 = arith.constant 0 : i32
        %dma_start3A_52 = arith.constant 0 : i32
        %dma_start3A_53 = tpu.memref_slice %arg8[%dma_start3A_51, %dma_start3A_52] : memref<128x128xf32, #tpu.memory_space<vmem>> -> memref<128x128xf32, #tpu.memory_space<vmem>>
        %dma_start3A_54 = arith.constant 0 : i32
        %dma_start3A_55 = arith.constant 0 : i32
        %dma_start3A_56 = tpu.memref_slice %arg5[%arg0, %dma_start3A_54, %dma_start3A_55] : memref<2x10240x128xf32, #tpu.memory_space<hbm>> -> memref<1x10240x128xf32, #tpu.memory_space<hbm>>
        %dma_start3A_57 = tpu.memref_squeeze %dma_start3A_56 : memref<1x10240x128xf32, #tpu.memory_space<hbm>> -> memref<10240x128xf32, #tpu.memory_space<hbm>>
        %dma_start3A_58 = arith.constant 0 : i32
        %dma_start3A_59 = tpu.memref_slice %dma_start3A_57[%add3A_50, %dma_start3A_58] : memref<10240x128xf32, #tpu.memory_space<hbm>> -> memref<128x128xf32, #tpu.memory_space<hbm>>
        %dma_start3A_60 = arith.constant 0 : i32
        %dma_start3A_61 = arith.constant 0 : i32
        %dma_start3A_62 = tpu.memref_slice %arg5[%arg0, %dma_start3A_60, %dma_start3A_61] : memref<2x10240x128xf32, #tpu.memory_space<hbm>> -> memref<1x10240x128xf32, #tpu.memory_space<hbm>>
        %dma_start3A_63 = tpu.memref_squeeze %dma_start3A_62 : memref<1x10240x128xf32, #tpu.memory_space<hbm>> -> memref<10240x128xf32, #tpu.memory_space<hbm>>
        %dma_start3A_64 = arith.constant 0 : i32
        %dma_start3A_65 = tpu.memref_slice %dma_start3A_63[%add3A_50, %dma_start3A_64] : memref<10240x128xf32, #tpu.memory_space<hbm>> -> memref<128x128xf32, #tpu.memory_space<hbm>>
        %dma_start3A_66 = arith.constant 0 : i32
        %dma_start3A_67 = arith.constant 0 : i32
        %dma_start3A_68 = tpu.memref_slice %arg8[%dma_start3A_66, %dma_start3A_67] : memref<128x128xf32, #tpu.memory_space<vmem>> -> memref<128x128xf32, #tpu.memory_space<vmem>>
        tpu.enqueue_dma source(%dma_start3A_68 : memref<128x128xf32, #tpu.memory_space<vmem>>) target(%dma_start3A_65 : memref<128x128xf32, #tpu.memory_space<hbm>>) target_semaphore(%run_scoped3A : memref<!tpu.dma_semaphore, #tpu.memory_space<semaphore_mem>>)
        %dma_wait3A = arith.constant 0 : i32
        %dma_wait3A_69 = arith.constant 0 : i32
        %dma_wait3A_70 = tpu.memref_slice %arg8[%dma_wait3A, %dma_wait3A_69] : memref<128x128xf32, #tpu.memory_space<vmem>> -> memref<128x128xf32, #tpu.memory_space<vmem>>
        %dma_wait3A_71 = arith.constant 0 : i32
        %dma_wait3A_72 = arith.constant 0 : i32
        %dma_wait3A_73 = tpu.memref_slice %arg5[%arg0, %dma_wait3A_71, %dma_wait3A_72] : memref<2x10240x128xf32, #tpu.memory_space<hbm>> -> memref<1x10240x128xf32, #tpu.memory_space<hbm>>
        %dma_wait3A_74 = tpu.memref_squeeze %dma_wait3A_73 : memref<1x10240x128xf32, #tpu.memory_space<hbm>> -> memref<10240x128xf32, #tpu.memory_space<hbm>>
        %dma_wait3A_75 = arith.constant 0 : i32
        %dma_wait3A_76 = tpu.memref_slice %dma_wait3A_74[%add3A_50, %dma_wait3A_75] : memref<10240x128xf32, #tpu.memory_space<hbm>> -> memref<128x128xf32, #tpu.memory_space<hbm>>
        %dma_wait3A_77 = arith.constant 0 : i32
        %dma_wait3A_78 = arith.constant 0 : i32
        %dma_wait3A_79 = tpu.memref_slice %arg5[%arg0, %dma_wait3A_77, %dma_wait3A_78] : memref<2x10240x128xf32, #tpu.memory_space<hbm>> -> memref<1x10240x128xf32, #tpu.memory_space<hbm>>
        %dma_wait3A_80 = tpu.memref_squeeze %dma_wait3A_79 : memref<1x10240x128xf32, #tpu.memory_space<hbm>> -> memref<10240x128xf32, #tpu.memory_space<hbm>>
        %dma_wait3A_81 = arith.constant 0 : i32
        %dma_wait3A_82 = tpu.memref_slice %dma_wait3A_80[%add3A_50, %dma_wait3A_81] : memref<10240x128xf32, #tpu.memory_space<hbm>> -> memref<128x128xf32, #tpu.memory_space<hbm>>
        %dma_wait3A_83 = arith.constant 0 : i32
        %dma_wait3A_84 = arith.constant 0 : i32
        %dma_wait3A_85 = tpu.memref_slice %arg8[%dma_wait3A_83, %dma_wait3A_84] : memref<128x128xf32, #tpu.memory_space<vmem>> -> memref<128x128xf32, #tpu.memory_space<vmem>>
        tpu.wait_dma2 semaphore(%run_scoped3A : memref<!tpu.dma_semaphore, #tpu.memory_space<semaphore_mem>>) src(%dma_wait3A_85 : memref<128x128xf32, #tpu.memory_space<vmem>>) dst(%dma_wait3A_82 : memref<128x128xf32, #tpu.memory_space<hbm>>)
        tpu.yield
      }) : () -> ()
    }
    %scan3A_46 = arith.constant 5 : i32
    return
  }
}

module attributes {stable_mosaic.version = 14 : i64} {
  func.func @_prep_body(%arg0: i32, %arg1: memref<1024x128xf32, #tpu.memory_space<vmem>>, %arg2: memref<128x128xf32, #tpu.memory_space<vmem>>, %arg3: memref<32x1024xf32, #tpu.memory_space<vmem>>, %arg4: memref<1024x128xf32, #tpu.memory_space<vmem>>, %arg5: memref<1024xf32, #tpu.memory_space<vmem>>) attributes {dimension_semantics = [#tpu.dimension_semantics<arbitrary>], iteration_bounds = array<i64: 10>, scalar_prefetch = 0 : i64, scratch_operands = 0 : i64, tpu.core_type = #tpu.core_type<tc>, window_params = [{transform_indices = @transform_0, window_bounds = array<i64: 1024, 128>}, {pipeline_mode = #tpu.pipeline_mode<synchronous>, transform_indices = @transform_1, window_bounds = array<i64: 128, 128>}, {transform_indices = @transform_2, window_bounds = array<i64: 32, 1024>}, {transform_indices = @transform_3, window_bounds = array<i64: 1024, 128>}, {transform_indices = @transform_4, window_bounds = array<i64: 1024>}]} {
    %get3A = arith.constant 0 : index
    %get3A_0 = arith.constant 0 : index
    %get3A_1 = vector.load %arg3[%get3A, %get3A_0] : memref<32x1024xf32, #tpu.memory_space<vmem>>, vector<32x1024xf32>
    %reduce_sum3A = arith.constant dense<0.000000e+00> : vector<1024xf32>
    %reduce_sum3A_2 = vector.multi_reduction <add>, %get3A_1, %reduce_sum3A [0] : vector<32x1024xf32> to vector<1024xf32>
    %add3A = arith.constant 1.000000e+00 : f32
    %add3A_3 = vector.broadcast %add3A : f32 to vector<1024xf32>
    %add3A_4 = arith.addf %reduce_sum3A_2, %add3A_3 : vector<1024xf32>
    %rsqrt3A = math.rsqrt %add3A_4 : vector<1024xf32>
    %swap3A = arith.constant 0 : index
    %swap3A_5 = vector.load %arg5[%swap3A] : memref<1024xf32, #tpu.memory_space<vmem>>, vector<1024xf32>
    tpu.vector_store %arg5[%swap3A], %rsqrt3A {strides = array<i32>} : memref<1024xf32, #tpu.memory_space<vmem>>, vector<1024xf32>,
    %get3A_6 = arith.constant 0 : index
    %get3A_7 = arith.constant 0 : index
    %get3A_8 = vector.load %arg1[%get3A_6, %get3A_7] : memref<1024x128xf32, #tpu.memory_space<vmem>>, vector<1024x128xf32>
    %broadcast_in_dim3A = vector.shape_cast %rsqrt3A : vector<1024xf32> to vector<1024x1xf32>
    %mul3A = vector.broadcast %broadcast_in_dim3A : vector<1024x1xf32> to vector<1024x128xf32>
    %mul3A_9 = arith.mulf %get3A_8, %mul3A : vector<1024x128xf32>
    %get3A_10 = arith.constant 0 : index
    %get3A_11 = arith.constant 0 : index
    %get3A_12 = vector.load %arg2[%get3A_10, %get3A_11] : memref<128x128xf32, #tpu.memory_space<vmem>>, vector<128x128xf32>
    %dot_general3A = arith.constant dense<0.000000e+00> : vector<1024x128xf32>
    %dot_general3A_13 = tpu.matmul %mul3A_9, %get3A_12, %dot_general3A {dimension_numbers = #tpu.dot_dimension_numbers<[1], [1], [0], [0], [0, 0, 1, 0], [], []>, transpose_lhs_hint = false} : vector<1024x128xf32>, vector<128x128xf32>, vector<1024x128xf32> -> vector<1024x128xf32>
    %swap3A_14 = arith.constant 0 : index
    %swap3A_15 = arith.constant 0 : index
    %swap3A_16 = vector.load %arg4[%swap3A_14, %swap3A_15] : memref<1024x128xf32, #tpu.memory_space<vmem>>, vector<1024x128xf32>
    tpu.vector_store %arg4[%swap3A_14, %swap3A_15], %dot_general3A_13 {strides = array<i32>} : memref<1024x128xf32, #tpu.memory_space<vmem>>, vector<1024x128xf32>,
    return
  }
  func.func @transform_0(%arg0: i32) -> (i32, i32) {
    %c0_i32 = arith.constant 0 : i32
    %c0_i32_0 = arith.constant 0 : i32
    return %arg0, %c0_i32 : i32, i32
  }
  func.func @transform_1(%arg0: i32) -> (i32, i32) {
    %c0_i32 = arith.constant 0 : i32
    %c0_i32_0 = arith.constant 0 : i32
    %c0_i32_1 = arith.constant 0 : i32
    return %c0_i32, %c0_i32_0 : i32, i32
  }
  func.func @transform_2(%arg0: i32) -> (i32, i32) {
    %c0_i32 = arith.constant 0 : i32
    %c0_i32_0 = arith.constant 0 : i32
    return %c0_i32, %arg0 : i32, i32
  }
  func.func @transform_3(%arg0: i32) -> (i32, i32) {
    %c0_i32 = arith.constant 0 : i32
    %c0_i32_0 = arith.constant 0 : i32
    return %arg0, %c0_i32 : i32, i32
  }
  func.func @transform_4(%arg0: i32) -> i32 {
    %c0_i32 = arith.constant 0 : i32
    return %arg0 : i32
  }
}

module attributes {stable_mosaic.version = 14 : i64} {
  func.func @_fin_body(%arg0: i32, %arg1: memref<2x1024x128xf32, #tpu.memory_space<vmem>>, %arg2: memref<1024x128xf32, #tpu.memory_space<vmem>>, %arg3: memref<1024xf32, #tpu.memory_space<vmem>>, %arg4: memref<1x128xf32, #tpu.memory_space<vmem>>, %arg5: memref<1024x128xf32, #tpu.memory_space<vmem>>) attributes {dimension_semantics = [#tpu.dimension_semantics<arbitrary>], iteration_bounds = array<i64: 10>, scalar_prefetch = 0 : i64, scratch_operands = 0 : i64, tpu.core_type = #tpu.core_type<tc>, window_params = [{transform_indices = @transform_0, window_bounds = array<i64: 2, 1024, 128>}, {transform_indices = @transform_1, window_bounds = array<i64: 1024, 128>}, {transform_indices = @transform_2, window_bounds = array<i64: 1024>}, {pipeline_mode = #tpu.pipeline_mode<synchronous>, transform_indices = @transform_3, window_bounds = array<i64: 1, 128>}, {transform_indices = @transform_4, window_bounds = array<i64: 1024, 128>}]} {
    %get3A = arith.constant 0 : index
    %get3A_0 = arith.constant 0 : index
    %get3A_1 = arith.constant 0 : index
    %get3A_2 = vector.load %arg1[%get3A, %get3A_0, %get3A_1] : memref<2x1024x128xf32, #tpu.memory_space<vmem>>, vector<1x1024x128xf32>
    %get3A_3 = vector.shape_cast %get3A_2 : vector<1x1024x128xf32> to vector<1024x128xf32>
    %get3A_4 = arith.constant 1 : index
    %get3A_5 = arith.constant 0 : index
    %get3A_6 = arith.constant 0 : index
    %get3A_7 = vector.load %arg1[%get3A_4, %get3A_5, %get3A_6] : memref<2x1024x128xf32, #tpu.memory_space<vmem>>, vector<1x1024x128xf32>
    %get3A_8 = vector.shape_cast %get3A_7 : vector<1x1024x128xf32> to vector<1024x128xf32>
    %add3A = arith.addf %get3A_3, %get3A_8 : vector<1024x128xf32>
    %get3A_9 = arith.constant 0 : index
    %get3A_10 = arith.constant 0 : index
    %get3A_11 = vector.load %arg2[%get3A_9, %get3A_10] : memref<1024x128xf32, #tpu.memory_space<vmem>>, vector<1024x128xf32>
    %add3A_12 = arith.addf %add3A, %get3A_11 : vector<1024x128xf32>
    %get3A_13 = arith.constant 0 : index
    %get3A_14 = vector.load %arg3[%get3A_13] : memref<1024xf32, #tpu.memory_space<vmem>>, vector<1024xf32>
    %broadcast_in_dim3A = vector.shape_cast %get3A_14 : vector<1024xf32> to vector<1024x1xf32>
    %mul3A = vector.broadcast %broadcast_in_dim3A : vector<1024x1xf32> to vector<1024x128xf32>
    %mul3A_15 = arith.mulf %add3A_12, %mul3A : vector<1024x128xf32>
    %get3A_16 = arith.constant 0 : index
    %get3A_17 = arith.constant 0 : index
    %get3A_18 = vector.load %arg4[%get3A_16, %get3A_17] : memref<1x128xf32, #tpu.memory_space<vmem>>, vector<1x128xf32>
    %add3A_19 = vector.broadcast %get3A_18 : vector<1x128xf32> to vector<1024x128xf32>
    %add3A_20 = arith.addf %mul3A_15, %add3A_19 : vector<1024x128xf32>
    %max3A = arith.constant 0.000000e+00 : f32
    %max3A_21 = vector.broadcast %max3A : f32 to vector<1024x128xf32>
    %max3A_22 = arith.maximumf %add3A_20, %max3A_21 : vector<1024x128xf32>
    %swap3A = arith.constant 0 : index
    %swap3A_23 = arith.constant 0 : index
    %swap3A_24 = vector.load %arg5[%swap3A, %swap3A_23] : memref<1024x128xf32, #tpu.memory_space<vmem>>, vector<1024x128xf32>
    tpu.vector_store %arg5[%swap3A, %swap3A_23], %max3A_22 {strides = array<i32>} : memref<1024x128xf32, #tpu.memory_space<vmem>>, vector<1024x128xf32>,
    return
  }
  func.func @transform_0(%arg0: i32) -> (i32, i32, i32) {
    %c0_i32 = arith.constant 0 : i32
    %c0_i32_0 = arith.constant 0 : i32
    %c0_i32_1 = arith.constant 0 : i32
    return %c0_i32, %arg0, %c0_i32_0 : i32, i32, i32
  }
  func.func @transform_1(%arg0: i32) -> (i32, i32) {
    %c0_i32 = arith.constant 0 : i32
    %c0_i32_0 = arith.constant 0 : i32
    return %arg0, %c0_i32 : i32, i32
  }
  func.func @transform_2(%arg0: i32) -> i32 {
    %c0_i32 = arith.constant 0 : i32
    return %arg0 : i32
  }
  func.func @transform_3(%arg0: i32) -> (i32, i32) {
    %c0_i32 = arith.constant 0 : i32
    %c0_i32_0 = arith.constant 0 : i32
    %c0_i32_1 = arith.constant 0 : i32
    return %c0_i32, %c0_i32_0 : i32, i32
  }
  func.func @transform_4(%arg0: i32) -> (i32, i32) {
    %c0_i32 = arith.constant 0 : i32
    %c0_i32_0 = arith.constant 0 : i32
    return %arg0, %c0_i32 : i32, i32
  }
}

</mosaic_0001>

<sc_bundles>
// kernel: kernel.6.cloned.1.call-start
scs
__scs_entry_jumppad:
0x0: {  	(pc) =	sbr.rel $0x88, $3  }
0x1: {  	(tag) =	ssettag $0x0;
	lr =	simm.s32 $0x1  }
0x2: {  	[smem:$0x3F9C] =	sst lr;
	_ =	strace $0xD0000000  }
0x3: {  	_ = 	snop  }
0x4: {  	_ = 	snop  }
0x5: {  	_ = 	snop  }
0x6: {  	_ = 	snop  }
0x7: {  	_ = 	snop  }
__scs_overlays_trampoline_lowered:
0x8: {  	[smem:$0x3FAB] =	sst s0  }
0x9: {  	[smem:$0x3FAC] =	sst s1  }
0xa: {  	[smem:$0x3FAD] =	sst s2  }
0xb: {  	[smem:$0x3FAE] =	sst s3  }
0xc: {  	[smem:$0x3FAF] =	sst s4  }
0xd: {  	[smem:$0x3FB0] =	sst s5  }
0xe: {  	[smem:$0x3FB1] =	sst s6  }
0xf: {  	[smem:$0x3FB2] =	sst s7  }
0x10: {  	[smem:$0x3FB3] =	sst s8  }
0x11: {  	[smem:$0x3FB4] =	sst s9;
	s0 =	simm.s32 @!p0 $0x0  }
0x12: {  	s1 =	sld [smem:$0x3F9A];
	s0 =	simm.s32 @p0 $0x1  }
0x13: {  	[smem:$0x3FB5] =	sst s0;
	s0 =	simm.s32 @!p1 $0x0  }
0x14: {  	s2 =	sld [smem:$0x3F99];
	s0 =	simm.s32 @p1 $0x1  }
0x15: {  	[smem:$0x3FB6] =	sst s0;
	s0 =	simm.s32 @!p2 $0x0  }
0x16: {  	s3 =	sld [smem:$0x3FDB];
	s0 =	simm.s32 @p2 $0x1  }
0x17: {  	s4 =	simm.s32 $0x1BF5;
	[smem:$0x3FB8] =	sst s0  }
0x18: {  	s0 =	sld [smem:$0x3F9B];
	_ =	swait.ge [sflag:s4], $0x0  }
0x19: {  	s7 =	sld [smem:$0x3F9C]  }
0x1a: {  	s8 =	sadd.s32 $0xFFFFE003, lr  }
0x1b: {  	s9 =	sadd.s32 $0xFFFFFEF7, lr;
	s5 =	simm.s32 $0xFFFFFFFF;
	p2 =	slt.u32 s8, $0xFFFFF086  }
0x1c: {  	p1 =	slt.u32 s9, $0xF7A;
	s5 =	simm.s32 @!p2 $0x0  }
0x1d: {  	s5 =	simm.s32 @p1 $0x1;
	p0 =	seq.s32 s7, s2  }
0x1e: {  	s7 =	smul.u32 @!p0 $0xF7A, s2;
	p2 =	seq.s32 @!p0 s5, $0x0  }
0x1f: {  	s9 =	smul.u32 $0xF7A, s1;
	s8 =	simm.s32 @!p0 $0x1BF5;
	p2 =	por !p2, p0  }
0x20: {  	[sflag:s8] =	ssyncset.s32 @!p0 $0xFFFFF086;
	s6 =	sadd.s32 @!p0 s3, s7;
	s7 =	simm.s32 @!p0 $0x108  }
0x21: {  	s3 =	sadd.s32 s3, s9;
	s6 =	sadd.s32 @!p0 $0x88, s6;
	s7 =	simm.s32 @p2 $0x1082  }
0x22: {  	[simem:s7], [sflag:s8] =	dma.local @!p0 [hbm:s6], $0xF7A  }
0x23: {  	s9 =	sor.u32 $0xD0000000, s2;
	s6 =	simm.s32 $0x108;
	_ =	swait.ge @!p0 [sflag:s8], $0x0  }
0x24: {  	s3 =	sadd.s32 $0x88, s3;
	s6 =	simm.s32 @!p1 $0x1082;
	[sflag:s4] =	ssyncset.s32 $0xFFFFF086  }
0x25: {  	[simem:s6], [sflag:s4] =	dma.local [hbm:s3], $0xF7A  }
0x26: {  	[smem:$0x3F9C] =	sst s1;
	(tag) =	ssettag s2;
	_ =	strace s9  }
0x27: {  	s1 =	sld [smem:$0x3FAC]  }
0x28: {  	s2 =	sld [smem:$0x3FAD]  }
0x29: {  	s4 =	sld [smem:$0x3FAF]  }
0x2a: {  	p0 =	seq.s32 s5, $0x0;
	s5 =	sld [smem:$0x3FB0]  }
0x2b: {  	s6 =	sld [smem:$0x3FB1]  }
0x2c: {  	s7 =	sld [smem:$0x3FB2]  }
0x2d: {  	s3 =	simm.s32 $0x108;
	s8 =	sld [smem:$0x3FB3]  }
0x2e: {  	s3 =	simm.s32 @!p0 $0x1082;
	s9 =	sld [smem:$0x3FB4]  }
0x2f: {  	lr =	sadd.s32 s0, s3;
	s0 =	sld [smem:$0x3FAB]  }
0x30: {  	s3 =	sld [smem:$0x3FAE]  }
0x31: {  	[smem:$0x3FB7] =	sst s10  }
0x32: {  	s10 =	sld [smem:$0x3FB5];
	_ =	sdelay $0x3  }
0x33: {  	p0 =	seq.s32 s10, $0x1;
	s10 =	sld [smem:$0x3FB7];
	_ =	sdelay $0x3  }
0x34: {  	[smem:$0x3FB7] =	sst s10  }
0x35: {  	s10 =	sld [smem:$0x3FB6];
	_ =	sdelay $0x3  }
0x36: {  	p1 =	seq.s32 s10, $0x1;
	s10 =	sld [smem:$0x3FB7];
	_ =	sdelay $0x3  }
0x37: {  	[smem:$0x3FB7] =	sst s10  }
0x38: {  	s10 =	sld [smem:$0x3FB8]  }
0x39: {  	_ = 	snop;
	(pc) =	sbr.ind lr, $3  }
0x3a: {  	_ = 	snop  }
0x3b: {  	_ = 	snop  }
0x3c: {  	p2 =	seq.s32 s10, $0x1;
	s10 =	sld [smem:$0x3FB7]  }
0x3d: {  	_ =	shalt  }
0x3e: {  	_ =	shalt  }
0x3f: {  	_ =	shalt  }
0x40: {  	_ =	shalt  }
0x41: {  	_ =	shalt  }
0x42: {  	_ =	shalt  }
0x43: {  	_ =	shalt  }
0x44: {  	_ =	shalt  }
0x45: {  	_ =	shalt  }
0x46: {  	_ =	shalt  }
0x47: {  	_ =	shalt  }
0x48: {  	_ =	shalt  }
0x49: {  	_ =	shalt  }
0x4a: {  	_ =	shalt  }
0x4b: {  	_ =	shalt  }
0x4c: {  	_ =	shalt  }
0x4d: {  	_ =	shalt  }
0x4e: {  	_ =	shalt  }
0x4f: {  	_ =	shalt  }
0x50: {  	_ =	shalt  }
0x51: {  	_ =	shalt  }
0x52: {  	_ =	shalt  }
0x53: {  	_ =	shalt  }
0x54: {  	_ =	shalt  }
0x55: {  	_ =	shalt  }
0x56: {  	_ =	shalt  }
0x57: {  	_ =	shalt  }
0x58: {  	_ =	shalt  }
0x59: {  	_ =	shalt  }
0x5a: {  	_ =	shalt  }
0x5b: {  	_ =	shalt  }
0x5c: {  	_ =	shalt  }
0x5d: {  	_ =	shalt  }
0x5e: {  	_ =	shalt  }
0x5f: {  	_ =	shalt  }
0x60: {  	_ =	shalt  }
0x61: {  	_ =	shalt  }
0x62: {  	_ =	shalt  }
0x63: {  	_ =	shalt  }
0x64: {  	_ =	shalt  }
0x65: {  	_ =	shalt  }
0x66: {  	_ =	shalt  }
0x67: {  	_ =	shalt  }
0x68: {  	_ =	shalt  }
0x69: {  	_ =	shalt  }
0x6a: {  	_ =	shalt  }
0x6b: {  	_ =	shalt  }
0x6c: {  	_ =	shalt  }
0x6d: {  	_ =	shalt  }
0x6e: {  	_ =	shalt  }
0x6f: {  	_ =	shalt  }
0x70: {  	_ =	shalt  }
0x71: {  	_ =	shalt  }
0x72: {  	_ =	shalt  }
0x73: {  	_ =	shalt  }
0x74: {  	_ =	shalt  }
0x75: {  	_ =	shalt  }
0x76: {  	_ =	shalt  }
0x77: {  	_ =	shalt  }
0x78: {  	_ =	shalt  }
0x79: {  	_ =	shalt  }
0x7a: {  	_ =	shalt  }
0x7b: {  	_ =	shalt  }
0x7c: {  	_ =	shalt  }
0x7d: {  	_ =	shalt  }
0x7e: {  	_ =	shalt  }
0x7f: {  	_ =	shalt  }
0x80: {  	_ =	shalt  }
0x81: {  	_ =	shalt  }
0x82: {  	_ =	shalt  }
0x83: {  	_ =	shalt  }
0x84: {  	_ =	shalt  }
0x85: {  	_ =	shalt  }
0x86: {  	_ =	shalt  }
0x87: {  	_ =	shalt  }
.Lfunc_end0:
.L_simem_size_0:
called_computation_lowered:
.L_overlay_start_0:
0x88: {  	s2 =	sld [smem:$0x3FD9]  }
0x89: {  	s3 =	sld [smem:$0x3FFE];
	_ =	sdelay $0x1  }
0x8a: {  	s1 =	srdreg.scid  }
0x8b: {  	s0 =	sand.u32 $0x1, s1  }
0x8c: {  	s16 =	sshll.u32 s0, $0xA;
	s2 =	sadd.s32 s3, s2  }
0x8d: {  	s2 =	sadd.s32 s2, s16  }
0x8e: {  	[smem:$0x3FC3] =	sst s2  }
0x8f: {  	_ = 	snop  }
0x90: {  	(tm) =	ssettm $0x1  }
0x91: {  	s17 =	sld [smem:$0x3FFB];
	_ =	sdelay $0x3  }
0x92: {  	_ =	strace s17  }
0x93: {  	s2 =	sld [smem:$0x3FFC];
	_ =	sdelay $0x3  }
0x94: {  	_ =	strace s2  }
0x95: {  	s2 =	sld [smem:$0x3FFD];
	_ =	sdelay $0x3  }
0x96: {  	_ =	strace s2  }
0x97: {  	_ =	strace $0x8FFFFFFF  }
0x98: {  	s18 =	sld [smem:$0x3FDB];
	_ =	sdelay $0x1  }
0x99: {  	s19 =	simm.s32 $_scs_section_size  }
0x9a: {  	s4 =	simm.s32 $_size__tile_overlayer_lowered;
	s5 =	simm.s32 $_tile_overlayer_lowered  }
0x9b: {  	s22 =	simm.s32 $0x1BFF;
	s21 =	sshll.u32 s5, $0x1;
	s2 =	sadd.s32 s19, s18  }
0x9c: {  	s6 =	simm.s32 $0x0;
	s20 =	sshll.u32 s4, $0x1;
	s4 =	sadd.s32 s21, s2  }
0x9d: {  	[timem:s6], [sflag:s22] =	dma.local [hbm:s4], s20  }
0x9e: {  	_ =	swait.ge [sflag:s22], s20  }
0x9f: {  	s3 =	ssub.s32 $0x0, s20;
	[sflag:s22] =	ssyncset.done $0x0  }
0xa0: {  	[sflag:s22] =	ssyncadd.s32 s3;
	_ =	sdelay $0x1  }
0xa1: {  	s23 =	simm.s32 $0x1B8B  }
0xa2: {  	_ =	swait.ge [sflag:s23], $0x1  }
0xa3: {  	[sflag:s23] =	ssyncset.done $0x0  }
0xa4: {  	s25 =	simm.s32 $0x1B8E;
	s24 =	sld [smem:$0x3FFE];
	[sflag:s23] =	ssyncadd.s32 $0xFFFFFFFF  }
0xa5: {  	s26 =	simm.s32 $execute0_lowered;
	[smem:$0x3FD2] =	sst s25  }
0xa6: {  	s4 =	sshll.u32 s26, $0x1;
	_ =	strace $0x80000046;
	[dreg:$0x1] =	wrdreg $0xFFFFFFFF  }
0xa7: {  	s28 =	simm.s32 $_size_execute0_lowered;
	s2 =	sadd.s32 s2, s4;
	[dreg:$0x0] =	wrdreg $0x0  }
0xa8: {  	s4 =	sshll.u32 s28, $0x1;
	[dreg:$0x2] =	wrdreg s2  }
0xa9: {  	[dreg:$0x3] =	wrdreg s4  }
0xaa: {  	[dreg:$0x4] =	wrdreg $0xC0  }
0xab: {  	_ =	task [dreg:s6], $0x5FFFF  }
0xac: {  	[dreg:$0x1] =	wrdreg $0xFFFFFFFF  }
0xad: {  	[dreg:$0x0] =	wrdreg $0x60  }
0xae: {  	[dreg:$0x2] =	wrdreg s24  }
0xaf: {  	[dreg:$0x3] =	wrdreg $0x9  }
0xb0: {  	_ =	task.clear_ibuf [dreg:s6], $0x4FFFF;
	_ =	strace $0x90000046  }
0xb1: {  	s29 =	simm.s32 $0x9;
	_ =	strace $0x80000048  }
0xb2: {  	_ =	swait.ge [sflag:s29], $0x1  }
0xb3: {  	[sflag:s29] =	ssyncadd.s32 $0xFFFFFFFF  }
0xb4: {  	_ =	strace $0x90000048  }
0xb5: {  	_ =	sfence  }
0xb6: {  	s30 =	sld [smem:$0x0];
	_ =	sdelay $0x2  }
0xb7: {  	s31 =	sshll.u32 s1, $0xD;
	s1 =	sshrl.u32 s1, $0x2  }
0xb8: {  	s3 =	sand.u32 $0x4000, s31;
	s1 =	sadd.s32 s1, s30  }
0xb9: {  	s0 =	sor.u32 s3, s0;
	s1 =	sshll.u32 s1, $0x11  }
0xba: {  	s0 =	sor.u32 s1, s0  }
0xbb: {  	s0 =	sadd.s32 $0x8F2B, s0  }
0xbc: {  	[sflag:s0] =	ssyncadd.remote.s32 $0x1  }
0xbd: {  	_ =	sfence.sel $0xFFFF  }
0xbe: {  	[dreg:$0x0] =	wrdreg $0xFFFFFFFF;
	(pc) =	sbr.abs _section_cstart, $3  }
0xbf: {  	[dreg:$0x1] =	wrdreg $0xFFFFFFFF  }
0xc0: {  	_ =	task.clear_ibuf [dreg:s6], $0x2FFFF;
	_ =	strace $0x9FFFFFFF  }
0xc1: {  	(tm) =	ssettm $0x7FFFFFFF  }
tec
execute0_lowered:
.L_overlay_start_1:
0x0: {  	(tag) =	ssettag $0x1  }
0x1: {  	s0 =	srdreg.scid  }
0x2: {  	s3 =	sand.u32 $0x1, s0  }
0x3: {  	s4 =	rddreg [dreg:$0x0];
	s0 =	stileid.u32;
	s1 =	sshll.u32 s3, $0x4  }
0x4: {  	s2 =	simm.s32 $0x0;
	s8 =	simm.s32 $0x1;
	s1 =	sor.u32 s0, s1  }
0x5: {  	s9 =	simm.s32 $0x2780;
	s10 =	simm.s32 $0x0;
	s5 =	sshrl.u32 s1, $0x3  }
0x6: {  	[smem:$0x7FF] =	sst s2;
	s7 =	sshll.u32 s0, $0x7;
	s6 =	smul.u32 $0x13C00, s5  }
0x7: {  	s3 =	ssub.s32 $0x2, s3;
	s7 =	sand.u32 $0x380, s7;
	s5 =	smul.u32 $0x14000, s5  }
0x8: {  	s31 =	sshrl.u32 s3, $0x1;
	s1 =	rddreg [dreg:$0x1];
	s6 =	sor.u32 s7, s6  }
0x9: {  	_ =	strace $0x80000047;
	s5 =	sor.u32 s7, s5;
	s6 =	sshrl.u32 s6, $0x3  }
0xa: {  	s7 =	simm.s32 $0x400;
	s5 =	sshrl.u32 s5, $0x3;
	s6 =	sadd.s32 s6, s4  }
0xb: {  	s4 =	sadd.s32 s5, s4;
	s5 =	ssub.s32 s3, s31;
	s3 =	sadd.s32 $0x2400, s6  }
0xc: {  	v0 =	vimm.f32 $0.0e+00;
	v1 =	vimm.f32 $1.000000000e+00;
	s4 =	sadd.s32 $0xC200, s4;
	s5 =	smax.u32 s5, $0x1;
	s6 =	simm.s32 $0x80  }
.LBB2_1:
0xd: {  	[tilespmem:s2], [sflag:$0x1] =	stream.strided.gather [hbm4b:s3+s6], $0x2780, s7, s6, $0x38;
	[tilespmem:$0x4F80] =	vst v63  }
0xe: {  	_ =	swait.ge [sflag:s8], $0x2780  }
0xf: {  	[sflag:s8] =	ssyncset.done $0x0  }
0x10: {  	s11 =	simm.s32 $0x0;
	[sflag:s8] =	ssyncadd.s32 $0xFFFFD880  }
.LBB2_2:
0x11: {  	p0 =	sne.s32 s11, $0x9FC0  }
.Ltmp0:
0x12: {  	_ = 	snop;
	(pc) =	sbr.rel @p0 .LBB2_2-.Ltmp0, $3  }
0x13: {  	_ =	sdelay $0x1  }
0x14: {  	s12 =	sshra.s32 s11, $0x2  }
0x15: {  	s11 =	sadd.s32 $0x40, s11;
	[tilespmem:s12+$0x2780] =	vst v0  }
0x16: {  	s12 =	simm.s32 $0x0;
	s11 =	simm.s32 $0x40  }
.LBB2_4:
0x17: {  	p0 =	sne.s32 s11, $0x9C00;
	v2 =	vld [tilespmem:s12+$0x0];
	_ =	sdelay $0x3  }
.Ltmp1:
0x18: {  	(pc) =	sbr.rel @p0 .LBB2_4-.Ltmp1, $2  }
0x19: {  	_ =	sdelay $0x2  }
0x1a: {  	s12 =	sshra.s32 s11, $0x2;
	s11 =	sadd.s32 $0x40, s11;
	[tilespmem:v2+s9+$0x0] =	vst.idx.add.f32.msk $0xffff, v1  }
0x1b: {  	v2 =	vld [tilespmem:s12+$0x0];
	_ =	sdelay $0x5  }
0x1c: {  	s10 =	sadd.s32 $0x1, s10  }
0x1d: {  	p0 =	sne.s32 s10, s5  }
.Ltmp2:
0x1e: {  	[tilespmem:v2+s9+$0x0] =	vst.idx.add.f32.msk $0xffff, v1;
	(pc) =	sbr.rel @p0 .LBB2_1-.Ltmp2, $4  }
0x1f: {  	[hbm4b:s4+s6] =	stream.strided.scatter [tilespmem:s9], [sflag:$0x1], $0x2800, s7, s6, $0x38;
	[tilespmem:$0x4F80] =	vst v63  }
0x20: {  	_ =	swait.ge [sflag:s8], $0x2800  }
0x21: {  	[sflag:s8] =	ssyncset.done $0x0  }
0x22: {  	[sflag:s8] =	ssyncadd.s32 $0xFFFFD800  }
0x23: {  	_ =	sfence.sel $0x180000  }
0x24: {  	[bflag:$0x0] =	sbarrier.arrive $0xFFFF  }
0x25: {  	p0 =	sne.s32 s0, $0x0;
	_ =	strace $0x90000047  }
0x26: {  	s0 =	sadd.s32 @!p0 $0x100000, s1;
	[bflag:$0x2] =	sbarrier.arrive $0xFFFF  }
0x27: {  	[sflag:s0] =	ssyncadd.tile.s32 @!p0 $0x1;
	_ =	shalt  }
.Lfunc_end2:
_tile_overlayer_lowered:
.L_overlay_start_2:
0x28: {  	(tag) =	ssettag $0x2  }
0x29: {  	s0 =	rddreg [dreg:$0x0];
	s2 =	stileid.u32  }
0x2a: {  	s1 =	rddreg [dreg:$0x1];
	p0 =	sne.s32 s2, $0x0  }
0x2b: {  	s3 =	rddreg [dreg:$0x2];
	[bflag:$0x3] =	sbarrier.arrive $0xFFFF;
	s2 =	simm.s32 @!p0 $0x1C01  }
0x2c: {  	[timem:s3], [sflag:s2] =	dma.local @!p0 [hbm:s0], s1  }
0x2d: {  	s0 =	simm.s32 @!p0 $0x1  }
0x2e: {  	_ =	swait.ge @!p0 [sflag:s0], s1  }
0x2f: {  	s1 =	ssub.s32 @!p0 $0x0, s1;
	[sflag:s0] =	ssyncset.done @!p0 $0x0  }
0x30: {  	[sflag:s0] =	ssyncadd.s32 @!p0 s1  }
0x31: {  	[bflag:$0x3] =	sbarrier.arrive $0xFFFF  }
0x32: {  	_ =	shalt  }

// kernel: kernel.9.cloned.1.call-start
scs
__scs_entry_jumppad:
0x0: {  	(pc) =	sbr.rel $0x88, $3  }
0x1: {  	(tag) =	ssettag $0x0;
	lr =	simm.s32 $0x1  }
0x2: {  	[smem:$0x3F9C] =	sst lr;
	_ =	strace $0xD0000000  }
0x3: {  	_ = 	snop  }
0x4: {  	_ = 	snop  }
0x5: {  	_ = 	snop  }
0x6: {  	_ = 	snop  }
0x7: {  	_ = 	snop  }
__scs_overlays_trampoline_lowered:
0x8: {  	[smem:$0x3FAB] =	sst s0  }
0x9: {  	[smem:$0x3FAC] =	sst s1  }
0xa: {  	[smem:$0x3FAD] =	sst s2  }
0xb: {  	[smem:$0x3FAE] =	sst s3  }
0xc: {  	[smem:$0x3FAF] =	sst s4  }
0xd: {  	[smem:$0x3FB0] =	sst s5  }
0xe: {  	[smem:$0x3FB1] =	sst s6  }
0xf: {  	[smem:$0x3FB2] =	sst s7  }
0x10: {  	[smem:$0x3FB3] =	sst s8  }
0x11: {  	[smem:$0x3FB4] =	sst s9;
	s0 =	simm.s32 @!p0 $0x0  }
0x12: {  	s1 =	sld [smem:$0x3F9A];
	s0 =	simm.s32 @p0 $0x1  }
0x13: {  	[smem:$0x3FB5] =	sst s0;
	s0 =	simm.s32 @!p1 $0x0  }
0x14: {  	s2 =	sld [smem:$0x3F99];
	s0 =	simm.s32 @p1 $0x1  }
0x15: {  	[smem:$0x3FB6] =	sst s0;
	s0 =	simm.s32 @!p2 $0x0  }
0x16: {  	s3 =	sld [smem:$0x3FDB];
	s0 =	simm.s32 @p2 $0x1  }
0x17: {  	s4 =	simm.s32 $0x1BF5;
	[smem:$0x3FB8] =	sst s0  }
0x18: {  	s0 =	sld [smem:$0x3F9B];
	_ =	swait.ge [sflag:s4], $0x0  }
0x19: {  	s7 =	sld [smem:$0x3F9C]  }
0x1a: {  	s8 =	sadd.s32 $0xFFFFE003, lr  }
0x1b: {  	s9 =	sadd.s32 $0xFFFFFEF7, lr;
	s5 =	simm.s32 $0xFFFFFFFF;
	p2 =	slt.u32 s8, $0xFFFFF086  }
0x1c: {  	p1 =	slt.u32 s9, $0xF7A;
	s5 =	simm.s32 @!p2 $0x0  }
0x1d: {  	s5 =	simm.s32 @p1 $0x1;
	p0 =	seq.s32 s7, s2  }
0x1e: {  	s7 =	smul.u32 @!p0 $0xF7A, s2;
	p2 =	seq.s32 @!p0 s5, $0x0  }
0x1f: {  	s9 =	smul.u32 $0xF7A, s1;
	s8 =	simm.s32 @!p0 $0x1BF5;
	p2 =	por !p2, p0  }
0x20: {  	[sflag:s8] =	ssyncset.s32 @!p0 $0xFFFFF086;
	s6 =	sadd.s32 @!p0 s3, s7;
	s7 =	simm.s32 @!p0 $0x108  }
0x21: {  	s3 =	sadd.s32 s3, s9;
	s6 =	sadd.s32 @!p0 $0x88, s6;
	s7 =	simm.s32 @p2 $0x1082  }
0x22: {  	[simem:s7], [sflag:s8] =	dma.local @!p0 [hbm:s6], $0xF7A  }
0x23: {  	s9 =	sor.u32 $0xD0000000, s2;
	s6 =	simm.s32 $0x108;
	_ =	swait.ge @!p0 [sflag:s8], $0x0  }
0x24: {  	s3 =	sadd.s32 $0x88, s3;
	s6 =	simm.s32 @!p1 $0x1082;
	[sflag:s4] =	ssyncset.s32 $0xFFFFF086  }
0x25: {  	[simem:s6], [sflag:s4] =	dma.local [hbm:s3], $0xF7A  }
0x26: {  	[smem:$0x3F9C] =	sst s1;
	(tag) =	ssettag s2;
	_ =	strace s9  }
0x27: {  	s1 =	sld [smem:$0x3FAC]  }
0x28: {  	s2 =	sld [smem:$0x3FAD]  }
0x29: {  	s4 =	sld [smem:$0x3FAF]  }
0x2a: {  	p0 =	seq.s32 s5, $0x0;
	s5 =	sld [smem:$0x3FB0]  }
0x2b: {  	s6 =	sld [smem:$0x3FB1]  }
0x2c: {  	s7 =	sld [smem:$0x3FB2]  }
0x2d: {  	s3 =	simm.s32 $0x108;
	s8 =	sld [smem:$0x3FB3]  }
0x2e: {  	s3 =	simm.s32 @!p0 $0x1082;
	s9 =	sld [smem:$0x3FB4]  }
0x2f: {  	lr =	sadd.s32 s0, s3;
	s0 =	sld [smem:$0x3FAB]  }
0x30: {  	s3 =	sld [smem:$0x3FAE]  }
0x31: {  	[smem:$0x3FB7] =	sst s10  }
0x32: {  	s10 =	sld [smem:$0x3FB5];
	_ =	sdelay $0x3  }
0x33: {  	p0 =	seq.s32 s10, $0x1;
	s10 =	sld [smem:$0x3FB7];
	_ =	sdelay $0x3  }
0x34: {  	[smem:$0x3FB7] =	sst s10  }
0x35: {  	s10 =	sld [smem:$0x3FB6];
	_ =	sdelay $0x3  }
0x36: {  	p1 =	seq.s32 s10, $0x1;
	s10 =	sld [smem:$0x3FB7];
	_ =	sdelay $0x3  }
0x37: {  	[smem:$0x3FB7] =	sst s10  }
0x38: {  	s10 =	sld [smem:$0x3FB8]  }
0x39: {  	_ = 	snop;
	(pc) =	sbr.ind lr, $3  }
0x3a: {  	_ = 	snop  }
0x3b: {  	_ = 	snop  }
0x3c: {  	p2 =	seq.s32 s10, $0x1;
	s10 =	sld [smem:$0x3FB7]  }
0x3d: {  	_ =	shalt  }
0x3e: {  	_ =	shalt  }
0x3f: {  	_ =	shalt  }
0x40: {  	_ =	shalt  }
0x41: {  	_ =	shalt  }
0x42: {  	_ =	shalt  }
0x43: {  	_ =	shalt  }
0x44: {  	_ =	shalt  }
0x45: {  	_ =	shalt  }
0x46: {  	_ =	shalt  }
0x47: {  	_ =	shalt  }
0x48: {  	_ =	shalt  }
0x49: {  	_ =	shalt  }
0x4a: {  	_ =	shalt  }
0x4b: {  	_ =	shalt  }
0x4c: {  	_ =	shalt  }
0x4d: {  	_ =	shalt  }
0x4e: {  	_ =	shalt  }
0x4f: {  	_ =	shalt  }
0x50: {  	_ =	shalt  }
0x51: {  	_ =	shalt  }
0x52: {  	_ =	shalt  }
0x53: {  	_ =	shalt  }
0x54: {  	_ =	shalt  }
0x55: {  	_ =	shalt  }
0x56: {  	_ =	shalt  }
0x57: {  	_ =	shalt  }
0x58: {  	_ =	shalt  }
0x59: {  	_ =	shalt  }
0x5a: {  	_ =	shalt  }
0x5b: {  	_ =	shalt  }
0x5c: {  	_ =	shalt  }
0x5d: {  	_ =	shalt  }
0x5e: {  	_ =	shalt  }
0x5f: {  	_ =	shalt  }
0x60: {  	_ =	shalt  }
0x61: {  	_ =	shalt  }
0x62: {  	_ =	shalt  }
0x63: {  	_ =	shalt  }
0x64: {  	_ =	shalt  }
0x65: {  	_ =	shalt  }
0x66: {  	_ =	shalt  }
0x67: {  	_ =	shalt  }
0x68: {  	_ =	shalt  }
0x69: {  	_ =	shalt  }
0x6a: {  	_ =	shalt  }
0x6b: {  	_ =	shalt  }
0x6c: {  	_ =	shalt  }
0x6d: {  	_ =	shalt  }
0x6e: {  	_ =	shalt  }
0x6f: {  	_ =	shalt  }
0x70: {  	_ =	shalt  }
0x71: {  	_ =	shalt  }
0x72: {  	_ =	shalt  }
0x73: {  	_ =	shalt  }
0x74: {  	_ =	shalt  }
0x75: {  	_ =	shalt  }
0x76: {  	_ =	shalt  }
0x77: {  	_ =	shalt  }
0x78: {  	_ =	shalt  }
0x79: {  	_ =	shalt  }
0x7a: {  	_ =	shalt  }
0x7b: {  	_ =	shalt  }
0x7c: {  	_ =	shalt  }
0x7d: {  	_ =	shalt  }
0x7e: {  	_ =	shalt  }
0x7f: {  	_ =	shalt  }
0x80: {  	_ =	shalt  }
0x81: {  	_ =	shalt  }
0x82: {  	_ =	shalt  }
0x83: {  	_ =	shalt  }
0x84: {  	_ =	shalt  }
0x85: {  	_ =	shalt  }
0x86: {  	_ =	shalt  }
0x87: {  	_ =	shalt  }
.Lfunc_end0:
.L_simem_size_0:
called_computation.1_lowered:
.L_overlay_start_0:
0x88: {  	s2 =	sld [smem:$0x3FD9]  }
0x89: {  	s3 =	sld [smem:$0x3FFE];
	_ =	sdelay $0x1  }
0x8a: {  	s1 =	srdreg.scid  }
0x8b: {  	s0 =	sand.u32 $0x1, s1  }
0x8c: {  	s14 =	sshll.u32 s0, $0xA;
	s2 =	sadd.s32 s3, s2  }
0x8d: {  	s2 =	sadd.s32 s2, s14  }
0x8e: {  	[smem:$0x3FC3] =	sst s2  }
0x8f: {  	_ = 	snop  }
0x90: {  	s2 =	sld [smem:$0x3FD0];
	_ =	sdelay $0x2  }
0x91: {  	s15 =	simm.s32 $0xA;
	s4 =	simm.s32 $0x10  }
0x92: {  	[smem:s4], [sflag:s15] =	dma.local [hbm:s2], $0x1  }
0x93: {  	_ =	swait.eq [sflag:s15], $0x1  }
0x94: {  	[sflag:s15] =	ssyncset.done $0x0  }
0x95: {  	s16 =	sld [smem:$0x10];
	[sflag:s15] =	ssyncadd.s32 $0xFFFFFFFF  }
0x96: {  	s17 =	sld [smem:$0x11];
	(tm) =	ssettm $0x1  }
0x97: {  	s18 =	sld [smem:$0x3FFB];
	_ =	sdelay $0x3  }
0x98: {  	_ =	strace s18  }
0x99: {  	s4 =	sld [smem:$0x3FFC];
	_ =	sdelay $0x3  }
0x9a: {  	_ =	strace s4  }
0x9b: {  	s4 =	sld [smem:$0x3FFD];
	_ =	sdelay $0x3  }
0x9c: {  	_ =	strace s4  }
0x9d: {  	_ =	strace $0x8FFFFFFF  }
0x9e: {  	s19 =	sld [smem:$0x3FDB];
	_ =	sdelay $0x1  }
0x9f: {  	s5 =	simm.s32 $_scs_section_size  }
0xa0: {  	s6 =	simm.s32 $_size__tile_overlayer_lowered;
	s7 =	simm.s32 $_tile_overlayer_lowered  }
0xa1: {  	s22 =	simm.s32 $0x1BFF;
	s21 =	sshll.u32 s7, $0x1;
	s4 =	sadd.s32 s5, s19  }
0xa2: {  	s8 =	simm.s32 $0x0;
	s20 =	sshll.u32 s6, $0x1;
	s6 =	sadd.s32 s21, s4  }
0xa3: {  	[timem:s8], [sflag:s22] =	dma.local [hbm:s6], s20  }
0xa4: {  	_ =	swait.ge [sflag:s22], s20  }
0xa5: {  	s5 =	ssub.s32 $0x0, s20;
	[sflag:s22] =	ssyncset.done $0x0  }
0xa6: {  	[sflag:s22] =	ssyncadd.s32 s5;
	_ =	sdelay $0x1  }
0xa7: {  	s23 =	simm.s32 $0x1B8B  }
0xa8: {  	_ =	swait.ge [sflag:s23], $0x1  }
0xa9: {  	[sflag:s23] =	ssyncset.done $0x0  }
0xaa: {  	s25 =	simm.s32 $0x1B8E;
	s24 =	sld [smem:$0x3FFE];
	[sflag:s23] =	ssyncadd.s32 $0xFFFFFFFF  }
0xab: {  	s26 =	simm.s32 $execute0_lowered;
	[smem:$0x3FD2] =	sst s25  }
0xac: {  	s6 =	sshll.u32 s26, $0x1;
	_ =	strace $0x80000049;
	[dreg:$0x1] =	wrdreg $0xFFFFFFFF  }
0xad: {  	s28 =	simm.s32 $_size_execute0_lowered;
	s4 =	sadd.s32 s4, s6;
	[dreg:$0x0] =	wrdreg $0x0  }
0xae: {  	s6 =	sshll.u32 s28, $0x1;
	[dreg:$0x2] =	wrdreg s4  }
0xaf: {  	[dreg:$0x3] =	wrdreg s6  }
0xb0: {  	[dreg:$0x4] =	wrdreg $0xC0  }
0xb1: {  	_ =	task [dreg:s8], $0x5FFFF  }
0xb2: {  	[dreg:$0x1] =	wrdreg $0xFFFFFFFF  }
0xb3: {  	[dreg:$0x0] =	wrdreg $0x60  }
0xb4: {  	[dreg:$0x2] =	wrdreg s17  }
0xb5: {  	[dreg:$0x3] =	wrdreg s16  }
0xb6: {  	[dreg:$0x4] =	wrdreg s24  }
0xb7: {  	[dreg:$0x5] =	wrdreg $0xA8000  }
0xb8: {  	[dreg:$0x6] =	wrdreg $0x9  }
0xb9: {  	_ =	task.clear_ibuf [dreg:s8], $0x7FFFF;
	_ =	strace $0x90000049  }
0xba: {  	s29 =	simm.s32 $0x9;
	_ =	strace $0x8000004B  }
0xbb: {  	_ =	swait.ge [sflag:s29], $0x1  }
0xbc: {  	[sflag:s29] =	ssyncadd.s32 $0xFFFFFFFF  }
0xbd: {  	_ =	strace $0x9000004B  }
0xbe: {  	_ =	sfence  }
0xbf: {  	s30 =	sld [smem:$0x0];
	_ =	sdelay $0x2  }
0xc0: {  	s31 =	sshll.u32 s1, $0xD;
	s1 =	sshrl.u32 s1, $0x2  }
0xc1: {  	s3 =	sand.u32 $0x4000, s31;
	s1 =	sadd.s32 s1, s30  }
0xc2: {  	s0 =	sor.u32 s3, s0;
	s1 =	sshll.u32 s1, $0x11  }
0xc3: {  	s0 =	sor.u32 s1, s0  }
0xc4: {  	s0 =	sadd.s32 $0x8F2B, s0  }
0xc5: {  	[sflag:s0] =	ssyncadd.remote.s32 $0x1  }
0xc6: {  	_ =	sfence.sel $0xFFFF  }
0xc7: {  	[dreg:$0x0] =	wrdreg $0xFFFFFFFF;
	(pc) =	sbr.abs _section_cstart, $3  }
0xc8: {  	[dreg:$0x1] =	wrdreg $0xFFFFFFFF  }
0xc9: {  	_ =	task.clear_ibuf [dreg:s8], $0x2FFFF;
	_ =	strace $0x9FFFFFFF  }
0xca: {  	(tm) =	ssettm $0x7FFFFFFF  }
0xcb: {  	_ =	shalt  }
tec
execute0_lowered:
.L_overlay_start_1:
0x0: {  	(tag) =	ssettag $0x1  }
0x1: {  	s0 =	rddreg [dreg:$0x0]  }
0x2: {  	s3 =	rddreg [dreg:$0x1]  }
0x3: {  	s5 =	rddreg [dreg:$0x2]  }
0x4: {  	s1 =	rddreg [dreg:$0x3];
	s2 =	simm.s32 $0x0;
	s6 =	srdreg.scid  }
0x5: {  	s11 =	stileid.u32;
	s28 =	simm.s32 $0x1;
	s29 =	simm.s32 $0x2  }
0x6: {  	s30 =	simm.s32 $0x1380;
	s31 =	simm.s32 $0x2700;
	s9 =	smul.u32 $0x50000, s11  }
0x7: {  	[smem:$0x7FF] =	sst s2;
	s4 =	sadd.s32 $0x2400, s5;
	s15 =	smul.u32 $0x280, s11  }
0x8: {  	s6 =	sand.u32 $0x1, s6;
	s20 =	smul.u32 $0x2800, s11;
	_ =	strace $0x8000004A  }
0x9: {  	s7 =	smul.u32 $0x28000, s6;
	s8 =	sshll.u32 s6, $0x4;
	s6 =	ssub.s32 $0x2, s6  }
0xa: {  	s8 =	sor.u32 s11, s8;
	s24 =	sshrl.u32 s6, $0x1;
	s9 =	sshrl.u32 s9, $0x2  }
0xb: {  	s19 =	sadd.s32 $0x80, s15;
	s23 =	sadd.s32 $0x100, s15;
	s10 =	sadd.s32 s7, s5  }
0xc: {  	s25 =	smul.u32 $0x500, s8;
	s26 =	ssub.s32 s6, s24;
	s5 =	sadd.s32 s9, s1  }
0xd: {  	s22 =	sshll.u32 s19, $0x7;
	s24 =	sshll.u32 s23, $0x7;
	s14 =	smax.u32 s26, $0x1  }
0xe: {  	s9 =	sshll.u32 s23, $0x4;
	s16 =	sadd.s32 $0x4000, s5;
	[dreg:$0x5] =	wrdreg s14  }
0xf: {  	s12 =	sadd.s32 $0x2A400, s10;
	s17 =	sadd.s32 $0x8000, s5;
	[dreg:$0x6] =	wrdreg s16  }
0x10: {  	s18 =	sadd.s32 $0xC000, s5;
	s21 =	sadd.s32 $0x10000, s5;
	[dreg:$0x7] =	wrdreg s17  }
0x11: {  	s13 =	sadd.s32 s22, s1;
	s6 =	sadd.s32 s0, s25;
	[dreg:$0x8] =	wrdreg s18  }
0x12: {  	s7 =	sadd.s32 s3, s25;
	[dreg:$0x9] =	wrdreg s21;
	s3 =	sshll.u32 s19, $0x4  }
0x13: {  	s14 =	sadd.s32 s24, s1;
	s25 =	sadd.s32 $0x180, s15;
	s17 =	sadd.s32 $0x200, s15  }
0x14: {  	s18 =	simm.s32 $0x3;
	s19 =	simm.s32 $0x1400;
	s20 =	sadd.s32 s20, s12  }
0x15: {  	s22 =	sadd.s32 s9, s12;
	s0 =	simm.s32 $0x2780;
	s16 =	sshll.u32 s25, $0x7  }
0x16: {  	s8 =	sshll.u32 s25, $0x4;
	s26 =	sshll.u32 s17, $0x7;
	s24 =	sshll.u32 s17, $0x4  }
0x17: {  	s17 =	simm.s32 $0x2800;
	s21 =	sadd.s32 s3, s12;
	s25 =	simm.s32 $0x80  }
0x18: {  	s3 =	simm.s32 $0x0;
	s15 =	sadd.s32 s16, s1;
	s16 =	sadd.s32 s26, s1  }
0x19: {  	v0 =	vimm.f32 $0.0e+00;
	s23 =	sadd.s32 s8, s12;
	s24 =	sadd.s32 s24, s12;
	s26 =	simm.s32 $0x6800  }
.LBB2_1:
0x1a: {  	s8 =	simm.s32 $0x0;
	s9 =	simm.s32 $0x200  }
.LBB2_2:
0x1b: {  	p0 =	sne.s32 s9, $0xFE00;
	[tilespmem:s8+$0x2870] =	vst v0  }
0x1c: {  	[tilespmem:s8+$0x2800] =	vst v0  }
0x1d: {  	[tilespmem:s8+$0x2810] =	vst v0  }
.Ltmp0:
0x1e: {  	[tilespmem:s8+$0x2820] =	vst v0;
	(pc) =	sbr.rel @p0 .LBB2_2-.Ltmp0, $4  }
0x1f: {  	[tilespmem:s8+$0x2830] =	vst v0  }
0x20: {  	[tilespmem:s8+$0x2840] =	vst v0  }
0x21: {  	[tilespmem:s8+$0x2850] =	vst v0  }
0x22: {  	[tilespmem:s8+$0x2860] =	vst v0;
	s8 =	sshra.s32 s9, $0x2;
	s9 =	sadd.s32 $0x200, s9  }
0x23: {  	[tilespmem:s8+$0x2870] =	vst v0  }
0x24: {  	[tilespmem:s8+$0x2800] =	vst v0  }
0x25: {  	[tilespmem:s8+$0x2810] =	vst v0  }
0x26: {  	[tilespmem:s8+$0x2820] =	vst v0  }
0x27: {  	[tilespmem:s8+$0x2830] =	vst v0  }
0x28: {  	[tilespmem:s8+$0x2840] =	vst v0  }
0x29: {  	[tilespmem:s8+$0x2850] =	vst v0  }
0x2a: {  	[tilespmem:s8+$0x2860] =	vst v0  }
0x2b: {  	[spmem:s5] =	stream.linear.scatter [tilespmem:s17], [sflag:$0x3], $0x4000, $0x38;
	[tilespmem:$0x1E800] =	vst v63  }
0x2c: {  	_ =	swait.ge [sflag:s18], $0x4000  }
0x2d: {  	[sflag:s18] =	ssyncset.done $0x0  }
0x2e: {  	s12 =	rddreg [dreg:$0x6];
	[sflag:s18] =	ssyncadd.s32 $0xFFFFC000  }
0x2f: {  	[spmem:s12] =	stream.linear.scatter [tilespmem:s17], [sflag:$0x3], $0x4000, $0x38;
	[tilespmem:$0x1E800] =	vst v63  }
0x30: {  	_ =	swait.ge [sflag:s18], $0x4000  }
0x31: {  	[sflag:s18] =	ssyncset.done $0x0  }
0x32: {  	s9 =	rddreg [dreg:$0x7];
	[sflag:s18] =	ssyncadd.s32 $0xFFFFC000  }
0x33: {  	[spmem:s9] =	stream.linear.scatter [tilespmem:s17], [sflag:$0x3], $0x4000, $0x38;
	[tilespmem:$0x1E800] =	vst v63  }
0x34: {  	_ =	swait.ge [sflag:s18], $0x4000  }
0x35: {  	[sflag:s18] =	ssyncset.done $0x0  }
0x36: {  	s10 =	rddreg [dreg:$0x8];
	[sflag:s18] =	ssyncadd.s32 $0xFFFFC000  }
0x37: {  	[spmem:s10] =	stream.linear.scatter [tilespmem:s17], [sflag:$0x3], $0x4000, $0x38;
	[tilespmem:$0x1E800] =	vst v63  }
0x38: {  	_ =	swait.ge [sflag:s18], $0x4000  }
0x39: {  	[sflag:s18] =	ssyncset.done $0x0  }
0x3a: {  	s11 =	rddreg [dreg:$0x9];
	[sflag:s18] =	ssyncadd.s32 $0xFFFFC000  }
0x3b: {  	[spmem:s11] =	stream.linear.scatter [tilespmem:s17], [sflag:$0x3], $0x4000, $0x38;
	[tilespmem:$0x1E800] =	vst v63  }
0x3c: {  	_ =	swait.ge [sflag:s18], $0x4000  }
0x3d: {  	[sflag:s18] =	ssyncset.done $0x0  }
0x3e: {  	[sflag:s18] =	ssyncadd.s32 $0xFFFFC000  }
0x3f: {  	s12 =	simm.s32 $0x0;
	[bflag:$0x0] =	sbarrier.arrive $0xFFFF  }
0x40: {  	[tilespmem:s12], [sflag:$0x3] =	stream.linear.gather [hbm4b:s6+s12], $0x1400, $0x38;
	[tilespmem:$0x1E800] =	vst v63  }
0x41: {  	_ =	swait.ge [sflag:s18], $0x1400  }
0x42: {  	[sflag:s18] =	ssyncset.done $0x0  }
0x43: {  	[sflag:s18] =	ssyncadd.s32 $0xFFFFEC00  }
0x44: {  	[tilespmem:s19], [sflag:$0x3] =	stream.linear.gather [hbm4b:s7+s12], $0x1400, $0x38;
	[tilespmem:$0x1E800] =	vst v63  }
0x45: {  	_ =	swait.ge [sflag:s18], $0x1400  }
0x46: {  	[sflag:s18] =	ssyncset.done $0x0  }
0x47: {  	[sflag:s18] =	ssyncadd.s32 $0xFFFFEC00  }
0x48: {  	[tilespmem:s17], [sflag:$0x1] =	stream.indirect.gather [hbm4b:s4+s25], $0x80, s12, s25, $0xb8;
	[tilespmem:$0x1E800] =	vst v63  }
0x49: {  	s9 =	simm.s32 $0x80  }
0x4a: {  	[tilespmem:s26], [sflag:$0x2] =	stream.indirect.gather [hbm4b:s4+s25], $0x80, s9, s25, $0xb8;
	[tilespmem:$0x1E800] =	vst v63  }
0x4b: {  	_ =	swait.ge [sflag:s28], $0x4000  }
0x4c: {  	[sflag:s28] =	ssyncset.done $0x0  }
0x4d: {  	s10 =	simm.s32 $0x1400;
	[sflag:s28] =	ssyncadd.s32 $0xFFFFC000  }
0x4e: {  	[spmem:s1] =	stream.indirect.scatter.add.f32 [tilespmem:s17], [sflag:$0x3], $0x80, s10, s25, $0xb8;
	[tilespmem:$0x1E800] =	vst v63  }
0x4f: {  	_ =	swait.ge [sflag:s18], $0x4000  }
0x50: {  	[sflag:s18] =	ssyncset.done $0x0  }
0x51: {  	s11 =	simm.s32 $0x100;
	[sflag:s18] =	ssyncadd.s32 $0xFFFFC000  }
0x52: {  	[tilespmem:s17], [sflag:$0x1] =	stream.indirect.gather [hbm4b:s4+s25], $0x80, s11, s25, $0xb8;
	[tilespmem:$0x1E800] =	vst v63  }
0x53: {  	_ =	swait.ge [sflag:s29], $0x4000  }
0x54: {  	[sflag:s29] =	ssyncset.done $0x0  }
0x55: {  	s12 =	simm.s32 $0x1480;
	[sflag:s29] =	ssyncadd.s32 $0xFFFFC000  }
0x56: {  	[spmem:s1] =	stream.indirect.scatter.add.f32 [tilespmem:s26], [sflag:$0x3], $0x80, s12, s25, $0xb8;
	[tilespmem:$0x1E800] =	vst v63  }
0x57: {  	_ =	swait.ge [sflag:s18], $0x4000  }
0x58: {  	s8 =	simm.s32 $0x100;
	s9 =	simm.s32 $0x800;
	[sflag:s18] =	ssyncset.done $0x0  }
.LBB2_4:
0x59: {  	s10 =	sadd.s32 $0x80, s8  }
0x5a: {  	[sflag:s18] =	ssyncadd.s32 $0xFFFFC000;
	s11 =	smov.u32 s9;
	s12 =	sadd.s32 $0x400, s9  }
0x5b: {  	[tilespmem:s26], [sflag:$0x2] =	stream.indirect.gather [hbm4b:s4+s25], $0x80, s10, s25, $0xb8;
	[tilespmem:$0x1E800] =	vst v63  }
0x5c: {  	p0 =	sne.s32 s9, $0x4800;
	_ =	swait.ge [sflag:s28], $0x4000  }
0x5d: {  	[sflag:s28] =	ssyncset.done $0x0  }
0x5e: {  	s9 =	sadd.s32 $0x1400, s8;
	[sflag:s28] =	ssyncadd.s32 $0xFFFFC000  }
0x5f: {  	[spmem:s1] =	stream.indirect.scatter.add.f32 [tilespmem:s17], [sflag:$0x3], $0x80, s9, s25, $0xb8;
	[tilespmem:$0x1E800] =	vst v63  }
0x60: {  	_ =	swait.ge [sflag:s18], $0x4000  }
0x61: {  	[sflag:s18] =	ssyncset.done $0x0  }
0x62: {  	s9 =	sadd.s32 $0x100, s8;
	[sflag:s18] =	ssyncadd.s32 $0xFFFFC000  }
0x63: {  	[tilespmem:s17], [sflag:$0x1] =	stream.indirect.gather [hbm4b:s4+s25], $0x80, s9, s25, $0xb8;
	[tilespmem:$0x1E800] =	vst v63  }
0x64: {  	_ =	swait.ge [sflag:s29], $0x4000  }
.Ltmp1:
0x65: {  	[sflag:s29] =	ssyncset.done $0x0;
	(pc) =	sbr.rel @p0 .LBB2_4-.Ltmp1, $4  }
0x66: {  	s8 =	sadd.s32 $0x1480, s8;
	[sflag:s29] =	ssyncadd.s32 $0xFFFFC000  }
0x67: {  	[spmem:s1] =	stream.indirect.scatter.add.f32 [tilespmem:s26], [sflag:$0x3], $0x80, s8, s25, $0xb8;
	[tilespmem:$0x1E800] =	vst v63  }
0x68: {  	_ =	swait.ge [sflag:s18], $0x4000  }
0x69: {  	s9 =	smov.u32 s12;
	s8 =	sshra.s32 s11, $0x2;
	[sflag:s18] =	ssyncset.done $0x0  }
0x6a: {  	s9 =	sadd.s32 $0x80, s8;
	[sflag:s18] =	ssyncadd.s32 $0xFFFFC000  }
0x6b: {  	[tilespmem:s26], [sflag:$0x2] =	stream.indirect.gather [hbm4b:s4+s25], $0x80, s9, s25, $0xb8;
	[tilespmem:$0x1E800] =	vst v63  }
0x6c: {  	_ =	swait.ge [sflag:s28], $0x4000  }
0x6d: {  	[sflag:s28] =	ssyncset.done $0x0  }
0x6e: {  	s11 =	sadd.s32 $0x1400, s8;
	[sflag:s28] =	ssyncadd.s32 $0xFFFFC000  }
0x6f: {  	[spmem:s1] =	stream.indirect.scatter.add.f32 [tilespmem:s17], [sflag:$0x3], $0x80, s11, s25, $0xb8;
	[tilespmem:$0x1E800] =	vst v63  }
0x70: {  	_ =	swait.ge [sflag:s18], $0x4000  }
0x71: {  	[sflag:s18] =	ssyncset.done $0x0  }
0x72: {  	s12 =	sadd.s32 $0x100, s8;
	[sflag:s18] =	ssyncadd.s32 $0xFFFFC000  }
0x73: {  	[tilespmem:s17], [sflag:$0x1] =	stream.indirect.gather [hbm4b:s4+s25], $0x80, s12, s25, $0xb8;
	[tilespmem:$0x1E800] =	vst v63  }
0x74: {  	_ =	swait.ge [sflag:s29], $0x4000  }
0x75: {  	[sflag:s29] =	ssyncset.done $0x0  }
0x76: {  	s9 =	sadd.s32 $0x1480, s8;
	[sflag:s29] =	ssyncadd.s32 $0xFFFFC000  }
0x77: {  	[spmem:s1] =	stream.indirect.scatter.add.f32 [tilespmem:s26], [sflag:$0x3], $0x80, s9, s25, $0xb8;
	[tilespmem:$0x1E800] =	vst v63  }
0x78: {  	_ =	swait.ge [sflag:s18], $0x4000  }
0x79: {  	[sflag:s18] =	ssyncset.done $0x0  }
0x7a: {  	[sflag:s18] =	ssyncadd.s32 $0xFFFFC000  }
0x7b: {  	[tilespmem:s26], [sflag:$0x2] =	stream.indirect.gather [hbm4b:s4+s25], $0x80, s30, s25, $0xb8;
	[tilespmem:$0x1E800] =	vst v63  }
0x7c: {  	_ =	swait.ge [sflag:s28], $0x4000  }
0x7d: {  	[sflag:s28] =	ssyncset.done $0x0  }
0x7e: {  	[sflag:s28] =	ssyncadd.s32 $0xFFFFC000  }
0x7f: {  	[spmem:s1] =	stream.indirect.scatter.add.f32 [tilespmem:s17], [sflag:$0x3], $0x80, s31, s25, $0xb8;
	[tilespmem:$0x1E800] =	vst v63  }
0x80: {  	_ =	swait.ge [sflag:s18], $0x4000  }
0x81: {  	[sflag:s18] =	ssyncset.done $0x0  }
0x82: {  	[sflag:s18] =	ssyncadd.s32 $0xFFFFC000  }
0x83: {  	_ =	swait.ge [sflag:s29], $0x4000  }
0x84: {  	[sflag:s29] =	ssyncset.done $0x0  }
0x85: {  	[sflag:s29] =	ssyncadd.s32 $0xFFFFC000  }
0x86: {  	[spmem:s1] =	stream.indirect.scatter.add.f32 [tilespmem:s26], [sflag:$0x3], $0x80, s0, s25, $0xb8;
	[tilespmem:$0x1E800] =	vst v63  }
0x87: {  	_ =	swait.ge [sflag:s18], $0x4000  }
0x88: {  	[sflag:s18] =	ssyncset.done $0x0  }
0x89: {  	s10 =	sadd.s32 $0x280, s6;
	s11 =	simm.s32 $0x0;
	[sflag:s18] =	ssyncadd.s32 $0xFFFFC000  }
0x8a: {  	[tilespmem:s11], [sflag:$0x3] =	stream.linear.gather [hbm4b:s10+s11], $0x1400, $0x38;
	[tilespmem:$0x1E800] =	vst v63  }
0x8b: {  	_ =	swait.ge [sflag:s18], $0x1400  }
0x8c: {  	[sflag:s18] =	ssyncset.done $0x0  }
0x8d: {  	s12 =	sadd.s32 $0x280, s7;
	[sflag:s18] =	ssyncadd.s32 $0xFFFFEC00  }
0x8e: {  	[tilespmem:s19], [sflag:$0x3] =	stream.linear.gather [hbm4b:s12+s11], $0x1400, $0x38;
	[tilespmem:$0x1E800] =	vst v63  }
0x8f: {  	_ =	swait.ge [sflag:s18], $0x1400  }
0x90: {  	[sflag:s18] =	ssyncset.done $0x0  }
0x91: {  	[sflag:s18] =	ssyncadd.s32 $0xFFFFEC00  }
0x92: {  	[tilespmem:s17], [sflag:$0x1] =	stream.indirect.gather [hbm4b:s4+s25], $0x80, s11, s25, $0xb8;
	[tilespmem:$0x1E800] =	vst v63  }
0x93: {  	s9 =	simm.s32 $0x80  }
0x94: {  	[tilespmem:s26], [sflag:$0x2] =	stream.indirect.gather [hbm4b:s4+s25], $0x80, s9, s25, $0xb8;
	[tilespmem:$0x1E800] =	vst v63  }
0x95: {  	_ =	swait.ge [sflag:s28], $0x4000  }
0x96: {  	[sflag:s28] =	ssyncset.done $0x0  }
0x97: {  	s10 =	simm.s32 $0x1400;
	[sflag:s28] =	ssyncadd.s32 $0xFFFFC000  }
0x98: {  	[spmem:s1] =	stream.indirect.scatter.add.f32 [tilespmem:s17], [sflag:$0x3], $0x80, s10, s25, $0xb8;
	[tilespmem:$0x1E800] =	vst v63  }
0x99: {  	_ =	swait.ge [sflag:s18], $0x4000  }
0x9a: {  	[sflag:s18] =	ssyncset.done $0x0  }
0x9b: {  	s11 =	simm.s32 $0x100;
	[sflag:s18] =	ssyncadd.s32 $0xFFFFC000  }
0x9c: {  	[tilespmem:s17], [sflag:$0x1] =	stream.indirect.gather [hbm4b:s4+s25], $0x80, s11, s25, $0xb8;
	[tilespmem:$0x1E800] =	vst v63  }
0x9d: {  	_ =	swait.ge [sflag:s29], $0x4000  }
0x9e: {  	[sflag:s29] =	ssyncset.done $0x0  }
0x9f: {  	s12 =	simm.s32 $0x1480;
	[sflag:s29] =	ssyncadd.s32 $0xFFFFC000  }
0xa0: {  	[spmem:s1] =	stream.indirect.scatter.add.f32 [tilespmem:s26], [sflag:$0x3], $0x80, s12, s25, $0xb8;
	[tilespmem:$0x1E800] =	vst v63  }
0xa1: {  	_ =	swait.ge [sflag:s18], $0x4000  }
0xa2: {  	s8 =	simm.s32 $0x100;
	s9 =	simm.s32 $0x800;
	[sflag:s18] =	ssyncset.done $0x0  }
.LBB2_6:
0xa3: {  	s10 =	sadd.s32 $0x80, s8  }
0xa4: {  	[sflag:s18] =	ssyncadd.s32 $0xFFFFC000;
	s11 =	smov.u32 s9;
	s12 =	sadd.s32 $0x400, s9  }
0xa5: {  	[tilespmem:s26], [sflag:$0x2] =	stream.indirect.gather [hbm4b:s4+s25], $0x80, s10, s25, $0xb8;
	[tilespmem:$0x1E800] =	vst v63  }
0xa6: {  	p0 =	sne.s32 s9, $0x4800;
	_ =	swait.ge [sflag:s28], $0x4000  }
0xa7: {  	[sflag:s28] =	ssyncset.done $0x0  }
0xa8: {  	s9 =	sadd.s32 $0x1400, s8;
	[sflag:s28] =	ssyncadd.s32 $0xFFFFC000  }
0xa9: {  	[spmem:s1] =	stream.indirect.scatter.add.f32 [tilespmem:s17], [sflag:$0x3], $0x80, s9, s25, $0xb8;
	[tilespmem:$0x1E800] =	vst v63  }
0xaa: {  	_ =	swait.ge [sflag:s18], $0x4000  }
0xab: {  	[sflag:s18] =	ssyncset.done $0x0  }
0xac: {  	s9 =	sadd.s32 $0x100, s8;
	[sflag:s18] =	ssyncadd.s32 $0xFFFFC000  }
0xad: {  	[tilespmem:s17], [sflag:$0x1] =	stream.indirect.gather [hbm4b:s4+s25], $0x80, s9, s25, $0xb8;
	[tilespmem:$0x1E800] =	vst v63  }
0xae: {  	_ =	swait.ge [sflag:s29], $0x4000  }
.Ltmp2:
0xaf: {  	[sflag:s29] =	ssyncset.done $0x0;
	(pc) =	sbr.rel @p0 .LBB2_6-.Ltmp2, $4  }
0xb0: {  	s8 =	sadd.s32 $0x1480, s8;
	[sflag:s29] =	ssyncadd.s32 $0xFFFFC000  }
0xb1: {  	[spmem:s1] =	stream.indirect.scatter.add.f32 [tilespmem:s26], [sflag:$0x3], $0x80, s8, s25, $0xb8;
	[tilespmem:$0x1E800] =	vst v63  }
0xb2: {  	_ =	swait.ge [sflag:s18], $0x4000  }
0xb3: {  	s9 =	smov.u32 s12;
	s8 =	sshra.s32 s11, $0x2;
	[sflag:s18] =	ssyncset.done $0x0  }
0xb4: {  	s9 =	sadd.s32 $0x80, s8;
	[sflag:s18] =	ssyncadd.s32 $0xFFFFC000  }
0xb5: {  	[tilespmem:s26], [sflag:$0x2] =	stream.indirect.gather [hbm4b:s4+s25], $0x80, s9, s25, $0xb8;
	[tilespmem:$0x1E800] =	vst v63  }
0xb6: {  	_ =	swait.ge [sflag:s28], $0x4000  }
0xb7: {  	[sflag:s28] =	ssyncset.done $0x0  }
0xb8: {  	s12 =	sadd.s32 $0x1400, s8;
	[sflag:s28] =	ssyncadd.s32 $0xFFFFC000  }
0xb9: {  	[spmem:s1] =	stream.indirect.scatter.add.f32 [tilespmem:s17], [sflag:$0x3], $0x80, s12, s25, $0xb8;
	[tilespmem:$0x1E800] =	vst v63  }
0xba: {  	_ =	swait.ge [sflag:s18], $0x4000  }
0xbb: {  	[sflag:s18] =	ssyncset.done $0x0  }
0xbc: {  	s10 =	sadd.s32 $0x100, s8;
	[sflag:s18] =	ssyncadd.s32 $0xFFFFC000  }
0xbd: {  	[tilespmem:s17], [sflag:$0x1] =	stream.indirect.gather [hbm4b:s4+s25], $0x80, s10, s25, $0xb8;
	[tilespmem:$0x1E800] =	vst v63  }
0xbe: {  	_ =	swait.ge [sflag:s29], $0x4000  }
0xbf: {  	[sflag:s29] =	ssyncset.done $0x0  }
0xc0: {  	s11 =	sadd.s32 $0x1480, s8;
	[sflag:s29] =	ssyncadd.s32 $0xFFFFC000  }
0xc1: {  	[spmem:s1] =	stream.indirect.scatter.add.f32 [tilespmem:s26], [sflag:$0x3], $0x80, s11, s25, $0xb8;
	[tilespmem:$0x1E800] =	vst v63  }
0xc2: {  	_ =	swait.ge [sflag:s18], $0x4000  }
0xc3: {  	[sflag:s18] =	ssyncset.done $0x0  }
0xc4: {  	[sflag:s18] =	ssyncadd.s32 $0xFFFFC000  }
0xc5: {  	[tilespmem:s26], [sflag:$0x2] =	stream.indirect.gather [hbm4b:s4+s25], $0x80, s30, s25, $0xb8;
	[tilespmem:$0x1E800] =	vst v63  }
0xc6: {  	_ =	swait.ge [sflag:s28], $0x4000  }
0xc7: {  	[sflag:s28] =	ssyncset.done $0x0  }
0xc8: {  	[sflag:s28] =	ssyncadd.s32 $0xFFFFC000  }
0xc9: {  	[spmem:s1] =	stream.indirect.scatter.add.f32 [tilespmem:s17], [sflag:$0x3], $0x80, s31, s25, $0xb8;
	[tilespmem:$0x1E800] =	vst v63  }
0xca: {  	_ =	swait.ge [sflag:s18], $0x4000  }
0xcb: {  	[sflag:s18] =	ssyncset.done $0x0  }
0xcc: {  	[sflag:s18] =	ssyncadd.s32 $0xFFFFC000  }
0xcd: {  	_ =	swait.ge [sflag:s29], $0x4000  }
0xce: {  	[sflag:s29] =	ssyncset.done $0x0  }
0xcf: {  	[sflag:s29] =	ssyncadd.s32 $0xFFFFC000  }
0xd0: {  	[spmem:s1] =	stream.indirect.scatter.add.f32 [tilespmem:s26], [sflag:$0x3], $0x80, s0, s25, $0xb8;
	[tilespmem:$0x1E800] =	vst v63  }
0xd1: {  	_ =	swait.ge [sflag:s18], $0x4000  }
0xd2: {  	[sflag:s18] =	ssyncset.done $0x0  }
0xd3: {  	[sflag:s18] =	ssyncadd.s32 $0xFFFFC000  }
0xd4: {  	[bflag:$0x0] =	sbarrier.arrive $0xFFFF  }
0xd5: {  	[tilespmem:s17], [sflag:$0x3] =	stream.linear.gather [spmem:s5], $0x4000, $0x38;
	[tilespmem:$0x1E800] =	vst v63  }
0xd6: {  	_ =	swait.ge [sflag:s18], $0x4000  }
0xd7: {  	[sflag:s18] =	ssyncset.done $0x0  }
0xd8: {  	[sflag:s18] =	ssyncadd.s32 $0xFFFFC000  }
0xd9: {  	[hbm4b:s20+s2] =	stream.linear.scatter [tilespmem:s17], [sflag:$0x3], $0x4000, $0x38;
	[tilespmem:$0x1E800] =	vst v63  }
0xda: {  	_ =	swait.ge [sflag:s18], $0x4000  }
0xdb: {  	[sflag:s18] =	ssyncset.done $0x0  }
0xdc: {  	[sflag:s18] =	ssyncadd.s32 $0xFFFFC000  }
0xdd: {  	[tilespmem:s17], [sflag:$0x3] =	stream.linear.gather [spmem:s13], $0x4000, $0x38;
	[tilespmem:$0x1E800] =	vst v63  }
0xde: {  	_ =	swait.ge [sflag:s18], $0x4000  }
0xdf: {  	[sflag:s18] =	ssyncset.done $0x0  }
0xe0: {  	[sflag:s18] =	ssyncadd.s32 $0xFFFFC000  }
0xe1: {  	[hbm4b:s21+s2] =	stream.linear.scatter [tilespmem:s17], [sflag:$0x3], $0x4000, $0x38;
	[tilespmem:$0x1E800] =	vst v63  }
0xe2: {  	_ =	swait.ge [sflag:s18], $0x4000  }
0xe3: {  	[sflag:s18] =	ssyncset.done $0x0  }
0xe4: {  	[sflag:s18] =	ssyncadd.s32 $0xFFFFC000  }
0xe5: {  	[tilespmem:s17], [sflag:$0x3] =	stream.linear.gather [spmem:s14], $0x4000, $0x38;
	[tilespmem:$0x1E800] =	vst v63  }
0xe6: {  	_ =	swait.ge [sflag:s18], $0x4000  }
0xe7: {  	[sflag:s18] =	ssyncset.done $0x0  }
0xe8: {  	[sflag:s18] =	ssyncadd.s32 $0xFFFFC000  }
0xe9: {  	[hbm4b:s22+s2] =	stream.linear.scatter [tilespmem:s17], [sflag:$0x3], $0x4000, $0x38;
	[tilespmem:$0x1E800] =	vst v63  }
0xea: {  	_ =	swait.ge [sflag:s18], $0x4000  }
0xeb: {  	[sflag:s18] =	ssyncset.done $0x0  }
0xec: {  	[sflag:s18] =	ssyncadd.s32 $0xFFFFC000  }
0xed: {  	[tilespmem:s17], [sflag:$0x3] =	stream.linear.gather [spmem:s15], $0x4000, $0x38;
	[tilespmem:$0x1E800] =	vst v63  }
0xee: {  	_ =	swait.ge [sflag:s18], $0x4000  }
0xef: {  	[sflag:s18] =	ssyncset.done $0x0  }
0xf0: {  	[sflag:s18] =	ssyncadd.s32 $0xFFFFC000  }
0xf1: {  	[hbm4b:s23+s2] =	stream.linear.scatter [tilespmem:s17], [sflag:$0x3], $0x4000, $0x38;
	[tilespmem:$0x1E800] =	vst v63  }
0xf2: {  	_ =	swait.ge [sflag:s18], $0x4000  }
0xf3: {  	[sflag:s18] =	ssyncset.done $0x0  }
0xf4: {  	[sflag:s18] =	ssyncadd.s32 $0xFFFFC000  }
0xf5: {  	[tilespmem:s17], [sflag:$0x3] =	stream.linear.gather [spmem:s16], $0x4000, $0x38;
	[tilespmem:$0x1E800] =	vst v63  }
0xf6: {  	_ =	swait.ge [sflag:s18], $0x4000  }
0xf7: {  	[sflag:s18] =	ssyncset.done $0x0  }
0xf8: {  	[sflag:s18] =	ssyncadd.s32 $0xFFFFC000  }
0xf9: {  	[hbm4b:s24+s2] =	stream.linear.scatter [tilespmem:s17], [sflag:$0x3], $0x4000, $0x38;
	[tilespmem:$0x1E800] =	vst v63  }
0xfa: {  	_ =	swait.ge [sflag:s18], $0x4000  }
0xfb: {  	s3 =	sadd.s32 $0x1, s3;
	s12 =	rddreg [dreg:$0x5]  }
0xfc: {  	p0 =	sne.s32 s3, s12  }
.Ltmp3:
0xfd: {  	_ = 	snop;
	(pc) =	sbr.rel @p0 .LBB2_1-.Ltmp3, $3  }
0xfe: {  	_ =	sdelay $0x1  }
0xff: {  	[sflag:s18] =	ssyncset.done $0x0  }
0x100: {  	[sflag:s18] =	ssyncadd.s32 $0xFFFFC000  }
0x101: {  	_ =	sfence.sel $0x180000  }
0x102: {  	[bflag:$0x0] =	sbarrier.arrive $0xFFFF  }
0x103: {  	_ =	strace $0x9000004A  }
0x104: {  	s0 =	stileid.u32;
	[bflag:$0x2] =	sbarrier.arrive $0xFFFF  }
0x105: {  	p0 =	sne.s32 s0, $0x0;
	s0 =	rddreg [dreg:$0x4]  }
0x106: {  	s0 =	sadd.s32 @!p0 $0x100000, s0  }
0x107: {  	[sflag:s0] =	ssyncadd.tile.s32 @!p0 $0x1;
	_ =	shalt  }
.Lfunc_end2:
_tile_overlayer_lowered:
.L_overlay_start_2:
0x108: {  	(tag) =	ssettag $0x2  }
0x109: {  	s0 =	rddreg [dreg:$0x0];
	s2 =	stileid.u32  }
0x10a: {  	s1 =	rddreg [dreg:$0x1];
	p0 =	sne.s32 s2, $0x0  }
0x10b: {  	s3 =	rddreg [dreg:$0x2];
	[bflag:$0x3] =	sbarrier.arrive $0xFFFF;
	s2 =	simm.s32 @!p0 $0x1C03  }
0x10c: {  	[timem:s3], [sflag:s2] =	dma.local @!p0 [hbm:s0], s1  }
0x10d: {  	s0 =	simm.s32 @!p0 $0x3  }
0x10e: {  	_ =	swait.ge @!p0 [sflag:s0], s1  }
0x10f: {  	s1 =	ssub.s32 @!p0 $0x0, s1;
	[sflag:s0] =	ssyncset.done @!p0 $0x0  }
0x110: {  	[sflag:s0] =	ssyncadd.s32 @!p0 s1  }
0x111: {  	[bflag:$0x3] =	sbarrier.arrive $0xFFFF  }
0x112: {  	_ =	shalt  }

</sc_bundles>
